<compile_context>
chip_gen: v7x
topology: tpu7x:2x2x1
jax: 0.10.2.dev20260603
libtpu: 0.0.44.dev20260713+nightly
codegen_flags: <defaults>
</compile_context>

<pallas_src>
import dataclasses
import functools

import jax
import jax.numpy as jnp
from jax import lax
from jax.experimental import pallas as pl
from jax.experimental.pallas import tpu as pltpu
from jax.experimental.pallas import tpu_sc as plsc

N = 10000
E = 320000
F_IN = 128
H = 64

NC = 2
NS = 16
NW = NC * NS
LANES = 16

EPW = E // NW
K = 80
NCHUNK = EPW // K
NRC = N // K
RCPT = (NRC + NS - 1) // NS

_mesh = plsc.VectorSubcoreMesh(core_axis_name="c", subcore_axis_name="s")

_sc_params = pltpu.CompilerParams()
if "needs_layout_passes" in pltpu.CompilerParams.__dataclass_fields__:
    _sc_params = dataclasses.replace(_sc_params, needs_layout_passes=False)
if "use_tc_tiling_on_sc" in pltpu.CompilerParams.__dataclass_fields__:
    _sc_params = dataclasses.replace(_sc_params, use_tc_tiling_on_sc=False)


@functools.partial(
    pl.kernel,
    out_type=jax.ShapeDtypeStruct((NW, N), jnp.float32),
    mesh=_mesh,
    scratch_types=[
        pltpu.VMEM((N,), jnp.float32),
        pltpu.VMEM((K,), jnp.int32),
    ],
    compiler_params=_sc_params,
)
def _sc_degree(dst_hbm, out_hbm, hist, idxv):
    c = lax.axis_index("c")
    s = lax.axis_index("s")
    wid = c * NS + s

    @pl.loop(0, N // LANES)
    def _(i):
        hist[pl.ds(i * LANES, LANES)] = jnp.zeros((LANES,), jnp.float32)

    ebase = wid * EPW

    @pl.loop(0, NCHUNK)
    def _(ci):
        pltpu.sync_copy(dst_hbm.at[pl.ds(ebase + ci * K, K)], idxv)

        @pl.loop(0, K // LANES)
        def _(j):
            d = idxv[pl.ds(j * LANES, LANES)]
            plsc.addupdate_scatter(hist, [d], jnp.ones((LANES,), jnp.float32))

    pltpu.sync_copy(hist, out_hbm.at[wid])


@functools.partial(
    pl.kernel,
    out_type=jax.ShapeDtypeStruct((NC, N, H), jnp.float32),
    mesh=_mesh,
    scratch_types=[
        pltpu.VMEM((K,), jnp.int32),
        pltpu.VMEM((K,), jnp.int32),
        pltpu.VMEM((K, H), jnp.float32),
        pltpu.VMEM_SHARED((N, H), jnp.float32),
        pltpu.SemaphoreType.DMA,
    ],
    compiler_params=_sc_params,
)
def _sc_aggregate(ht_hbm, src_hbm, dst_hbm, out_hbm, isrc, idst, rows, acc, sem):
    c = lax.axis_index("c")
    s = lax.axis_index("s")
    wid = c * NS + s

    @pl.loop(0, K)
    def _(i):
        @pl.loop(0, H // LANES)
        def _(j):
            rows[i, pl.ds(j * LANES, LANES)] = jnp.zeros((LANES,), jnp.float32)

    @pl.loop(0, RCPT)
    def _(t):
        q = s + NS * t

        @pl.when(q < NRC)
        def _():
            pltpu.sync_copy(rows, acc.at[pl.ds(q * K, K)])

    plsc.subcore_barrier()

    ebase = wid * EPW

    @pl.loop(0, NCHUNK)
    def _(ci):
        off = ebase + ci * K
        pltpu.sync_copy(src_hbm.at[pl.ds(off, K)], isrc)
        pltpu.sync_copy(dst_hbm.at[pl.ds(off, K)], idst)
        pltpu.async_copy(ht_hbm.at[isrc], rows, sem).wait()
        pltpu.sync_copy(rows, acc.at[idst], add=True)

    plsc.subcore_barrier()

    @pl.loop(0, RCPT)
    def _(t):
        q = s + NS * t

        @pl.when(q < NRC)
        def _():
            pltpu.sync_copy(acc.at[pl.ds(q * K, K)], out_hbm.at[c, pl.ds(q * K, K)])


def _tc_prep_body(hist_ref, x_ref, w0_ref, dinv_ref, ht0_ref):
    deg = 1.0 + jnp.sum(hist_ref[...], axis=0)
    dinv = lax.rsqrt(deg)[:, None]
    dinv_ref[...] = dinv
    h0 = jnp.dot(x_ref[...], w0_ref[...], preferred_element_type=jnp.float32)
    ht0_ref[...] = dinv * h0


def _tc_prep(hist, x, W0):
    return pl.pallas_call(
        _tc_prep_body,
        out_shape=(
            jax.ShapeDtypeStruct((N, 1), jnp.float32),
            jax.ShapeDtypeStruct((N, H), jnp.float32),
        ),
    )(hist, x, W0)


def _bn_relu(out, g, be, eps=1e-5):
    mu = jnp.mean(out, axis=0, keepdims=True)
    xc = out - mu
    var = jnp.mean(xc * xc, axis=0, keepdims=True)
    return jnp.maximum(xc * lax.rsqrt(var + eps) * g + be, 0.0)


def _tc_mid_body(p_ref, ht_ref, dinv_ref, b_ref, g_ref, be_ref, wn_ref, htn_ref):
    ht = ht_ref[...]
    dinv = dinv_ref[...]
    s = p_ref[0] + p_ref[1] + ht
    out = dinv * s + b_ref[...]
    y = _bn_relu(out, g_ref[...], be_ref[...])
    htn_ref[...] = dinv * jnp.dot(y, wn_ref[...], preferred_element_type=jnp.float32)


def _tc_mid(p, ht, dinv, b, g, be, Wn):
    return pl.pallas_call(
        _tc_mid_body,
        out_shape=jax.ShapeDtypeStruct((N, H), jnp.float32),
    )(p, ht, dinv, b.reshape(1, H), g.reshape(1, H), be.reshape(1, H), Wn)


def _tc_final_body(p_ref, ht_ref, dinv_ref, b_ref, g_ref, be_ref,
                   w1_ref, b1_ref, w2_ref, b2_ref, o_ref):
    ht = ht_ref[...]
    dinv = dinv_ref[...]
    s = p_ref[0] + p_ref[1] + ht
    out = dinv * s + b_ref[...]
    y = _bn_relu(out, g_ref[...], be_ref[...])
    z = jnp.maximum(
        jnp.dot(y, w1_ref[...], preferred_element_type=jnp.float32) + b1_ref[...], 0.0)
    o_ref[...] = jnp.dot(z, w2_ref[...], preferred_element_type=jnp.float32) + b2_ref[...]


def _tc_final(p, ht, dinv, b, g, be, lin1_W, lin1_b, lin2_W, lin2_b):
    return pl.pallas_call(
        _tc_final_body,
        out_shape=jax.ShapeDtypeStruct((N, 1), jnp.float32),
    )(p, ht, dinv, b.reshape(1, H), g.reshape(1, H), be.reshape(1, H),
      lin1_W, lin1_b.reshape(1, H // 2), lin2_W, lin2_b.reshape(1, 1))


def kernel(x, edge_index, W0, b0, g0, be0, W1, b1, g1, be1, W2, b2, g2, be2,
           lin1_W, lin1_b, lin2_W, lin2_b):
    src = edge_index[0]
    dst = edge_index[1]

    hist = _sc_degree(dst)
    dinv, ht0 = _tc_prep(hist, x, W0)

    p0 = _sc_aggregate(ht0, src, dst)
    ht1 = _tc_mid(p0, ht0, dinv, b0, g0, be0, W1)

    p1 = _sc_aggregate(ht1, src, dst)
    ht2 = _tc_mid(p1, ht1, dinv, b1, g1, be1, W2)

    p2 = _sc_aggregate(ht2, src, dst)
    y = _tc_final(p2, ht2, dinv, b2, g2, be2, lin1_W, lin1_b, lin2_W, lin2_b)
    return y.reshape(N)

# --- scband reference (transcript-rebuilt; emitter-appended) ---
"""Pipeline reference for scband-yield-gnn-27238682591805 (READ-ONLY COPY).

The authoritative reference and input builder live on the scoring server;
editing this copy changes nothing except your own understanding.
"""

import jax, jax.numpy as jnp
import numpy as np

N = 10000
E = 320000
F_IN = 128
H = 64


def setup_inputs(seed: int = 0) -> dict:
    key = jax.random.key(seed)
    ks = jax.random.split(key, 16)
    x = jax.random.normal(ks[0], (N, F_IN), dtype=jnp.float32)
    edge_index = jax.random.randint(ks[1], (2, E), 0, N, dtype=jnp.int32)
    def lin_init(k, fan_in, fan_out):
        s = 1.0 / np.sqrt(fan_in)
        return jax.random.uniform(k, (fan_in, fan_out), jnp.float32, -s, s)
    inp = {
        "x": x,
        "edge_index": edge_index,
        "W0": lin_init(ks[2], F_IN, H), "b0": jnp.zeros((H,), jnp.float32),
        "g0": jnp.ones((H,), jnp.float32), "be0": jnp.zeros((H,), jnp.float32),
        "W1": lin_init(ks[3], H, H), "b1": jnp.zeros((H,), jnp.float32),
        "g1": jnp.ones((H,), jnp.float32), "be1": jnp.zeros((H,), jnp.float32),
        "W2": lin_init(ks[4], H, H), "b2": jnp.zeros((H,), jnp.float32),
        "g2": jnp.ones((H,), jnp.float32), "be2": jnp.zeros((H,), jnp.float32),
        "lin1_W": lin_init(ks[5], H, H // 2), "lin1_b": jnp.zeros((H // 2,), jnp.float32),
        "lin2_W": lin_init(ks[6], H // 2, 1), "lin2_b": jnp.zeros((1,), jnp.float32),
    }
    return inp


def _gcn_conv(x, edge_index, W, b):
    # torch_geometric GCNConv: add self loops + symmetric normalization
    loop = jnp.arange(N, dtype=edge_index.dtype)
    src = jnp.concatenate([edge_index[0], loop])
    dst = jnp.concatenate([edge_index[1], loop])
    deg = jnp.zeros((N,), x.dtype).at[dst].add(1.0)
    dinv = jnp.where(deg > 0, 1.0 / jnp.sqrt(deg), 0.0)
    norm = dinv[src] * dinv[dst]
    h = x @ W
    msg = h[src] * norm[:, None]
    out = jnp.zeros((N, W.shape[1]), x.dtype).at[dst].add(msg)
    return out + b


def _batchnorm(x, g, b, eps=1e-5):
    mu = jnp.mean(x, axis=0)
    var = jnp.var(x, axis=0)
    return (x - mu) / jnp.sqrt(var + eps) * g + b


def reference(x, edge_index, W0, b0, g0, be0, W1, b1, g1, be1, W2, b2, g2, be2, lin1_W, lin1_b, lin2_W, lin2_b):
    h = x
    for (W, b, g, be) in ((W0, b0, g0, be0), (W1, b1, g1, be1), (W2, b2, g2, be2)):
        h = _gcn_conv(h, edge_index, W, b)
        h = _batchnorm(h, g, be)
        h = jax.nn.relu(h)
        # dropout is identity in deterministic/eval reference
    h = jax.nn.relu(h @ lin1_W + lin1_b)
    h = h @ lin2_W + lin2_b
    return jnp.squeeze(h)

if __name__ == "__main__":
    import jax
    _d = setup_inputs()
    print(jax.jit(kernel)(*tuple(_d.values())))

</pallas_src>

<mosaic_0001>
#map = affine_map<(d0, d1) -> (0, 0)>
#map1 = affine_map<(d0, d1) -> (0)>
#map2 = affine_map<(d0, d1) -> (0, 0, 0)>
module attributes {stable_mosaic.version = 14 : i64} {
  func.func @_sc_aggregate(%arg0: i32, %arg1: i32, %arg2: memref<10000x64xf32, #tpu.memory_space<hbm>>, %arg3: memref<320000xi32, #tpu.memory_space<hbm>>, %arg4: memref<320000xi32, #tpu.memory_space<hbm>>, %arg5: memref<2x10000x64xf32, #tpu.memory_space<hbm>>, %arg6: memref<80xi32, #tpu.memory_space<vmem>>, %arg7: memref<80xi32, #tpu.memory_space<vmem>>, %arg8: memref<80x64xf32, #tpu.memory_space<vmem>>, %arg9: memref<10000x64xf32, #tpu.memory_space<vmem_shared>>, %arg10: memref<!tpu.dma_semaphore, #tpu.memory_space<semaphore_mem>>) attributes {dimension_semantics = [#tpu.dimension_semantics<core_parallel>, #tpu.dimension_semantics<subcore_parallel>], iteration_bounds = array<i64: 2, 16>, scalar_prefetch = 0 : i64, scratch_operands = 5 : i64, tpu.core_type = #tpu.core_type<sc_vector_subcore>, window_params = [{transform_indices = #map}, {transform_indices = #map1}, {transform_indices = #map1}, {transform_indices = #map2}]} {
    %mul3A = arith.constant 16 : i32
    %mul3A_0 = arith.muli %arg0, %mul3A : i32
    %add3A = arith.addi %mul3A_0, %arg1 : i32
    %scan3A = arith.constant 0 : i32
    %scan3A_1 = arith.constant 80 : i32
    %scan3A_2 = arith.addi %scan3A, %scan3A_1 : i32
    %scan3A_3 = arith.constant 1 : i32
    scf.for %scan3A_23 = %scan3A to %scan3A_2 step %scan3A_3  : i32 {
      %mul3A_24 = arith.constant 1 : i32
      %mul3A_25 = arith.muli %scan3A_23, %mul3A_24 : i32
      %add3A_26 = arith.constant 0 : i32
      %add3A_27 = arith.addi %add3A_26, %mul3A_25 : i32
      %scan3A_28 = arith.constant 0 : i32
      %scan3A_29 = arith.constant 4 : i32
      %scan3A_30 = arith.addi %scan3A_28, %scan3A_29 : i32
      %scan3A_31 = arith.constant 1 : i32
      scf.for %scan3A_33 = %scan3A_28 to %scan3A_30 step %scan3A_31  : i32 {
        %mul3A_34 = arith.constant 1 : i32
        %mul3A_35 = arith.muli %scan3A_33, %mul3A_34 : i32
        %add3A_36 = arith.constant 0 : i32
        %add3A_37 = arith.addi %add3A_36, %mul3A_35 : i32
        %broadcast_in_dim3A = arith.constant 0.000000e+00 : f32
        %broadcast_in_dim3A_38 = vector.broadcast %broadcast_in_dim3A : f32 to vector<16xf32>
        %mul3A_39 = arith.constant 16 : i32
        %mul3A_40 = arith.muli %add3A_37, %mul3A_39 : i32
        %swap3A = arith.index_cast %add3A_27 : i32 to index
        %swap3A_41 = arith.index_cast %mul3A_40 : i32 to index
        %swap3A_42 = tpu.vector_load %arg8[%swap3A, %swap3A_41] {strides = array<i32>} : memref<80x64xf32, #tpu.memory_space<vmem>>, vector<16xf32>,
        tpu.vector_store %arg8[%swap3A, %swap3A_41], %broadcast_in_dim3A_38 {strides = array<i32>} : memref<80x64xf32, #tpu.memory_space<vmem>>, vector<16xf32>,
      }
      %scan3A_32 = arith.constant 4 : i32
    }
    %scan3A_4 = arith.constant 80 : i32
    %scan3A_5 = arith.constant 0 : i32
    %scan3A_6 = arith.constant 8 : i32
    %scan3A_7 = arith.addi %scan3A_5, %scan3A_6 : i32
    %scan3A_8 = arith.constant 1 : i32
    scf.for %scan3A_23 = %scan3A_5 to %scan3A_7 step %scan3A_8  : i32 {
      %mul3A_24 = arith.constant 1 : i32
      %mul3A_25 = arith.muli %scan3A_23, %mul3A_24 : i32
      %add3A_26 = arith.constant 0 : i32
      %add3A_27 = arith.addi %add3A_26, %mul3A_25 : i32
      %mul3A_28 = arith.constant 16 : i32
      %mul3A_29 = arith.muli %mul3A_28, %add3A_27 : i32
      %add3A_30 = arith.addi %arg1, %mul3A_29 : i32
      %lt3A = arith.constant 125 : i32
      %lt3A_31 = arith.cmpi slt, %add3A_30, %lt3A : i32
      %convert_element_type3A = arith.extui %lt3A_31 : i1 to i32
      %cond3A = arith.constant 0 : i32
      %cond3A_32 = arith.cmpi ne, %convert_element_type3A, %cond3A : i32
      scf.if %cond3A_32 {
        %mul3A_33 = arith.constant 80 : i32
        %mul3A_34 = arith.muli %add3A_30, %mul3A_33 : i32
        "tpu.region"() ({
          %run_scoped3A = tpu.sem_alloc : memref<!tpu.dma_semaphore, #tpu.memory_space<semaphore_mem>>
          %dma_start3A = arith.constant 0 : i32
          %dma_start3A_35 = tpu.memref_slice %arg9[%mul3A_34, %dma_start3A] : memref<10000x64xf32, #tpu.memory_space<vmem_shared>> -> memref<80x64xf32, #tpu.memory_space<vmem_shared>>
          %dma_start3A_36 = arith.constant 0 : i32
          %dma_start3A_37 = tpu.memref_slice %arg9[%mul3A_34, %dma_start3A_36] : memref<10000x64xf32, #tpu.memory_space<vmem_shared>> -> memref<80x64xf32, #tpu.memory_space<vmem_shared>>
          tpu.enqueue_dma source(%arg8 : memref<80x64xf32, #tpu.memory_space<vmem>>) target(%dma_start3A_37 : memref<80x64xf32, #tpu.memory_space<vmem_shared>>) target_semaphore(%run_scoped3A : memref<!tpu.dma_semaphore, #tpu.memory_space<semaphore_mem>>)
          %dma_wait3A = arith.constant 0 : i32
          %dma_wait3A_38 = tpu.memref_slice %arg9[%mul3A_34, %dma_wait3A] : memref<10000x64xf32, #tpu.memory_space<vmem_shared>> -> memref<80x64xf32, #tpu.memory_space<vmem_shared>>
          %dma_wait3A_39 = arith.constant 0 : i32
          %dma_wait3A_40 = tpu.memref_slice %arg9[%mul3A_34, %dma_wait3A_39] : memref<10000x64xf32, #tpu.memory_space<vmem_shared>> -> memref<80x64xf32, #tpu.memory_space<vmem_shared>>
          tpu.wait_dma2 semaphore(%run_scoped3A : memref<!tpu.dma_semaphore, #tpu.memory_space<semaphore_mem>>) src(%arg8 : memref<80x64xf32, #tpu.memory_space<vmem>>) dst(%dma_wait3A_40 : memref<80x64xf32, #tpu.memory_space<vmem_shared>>)
          tpu.yield
        }) : () -> ()
      } else {
      }
    }
    %scan3A_9 = arith.constant 8 : i32
    %barrier3A = arith.constant 0 : index
    tpu.barrier barrier_id(%barrier3A)
    %mul3A_10 = arith.constant 10000 : i32
    %mul3A_11 = arith.muli %add3A, %mul3A_10 : i32
    %scan3A_12 = arith.constant 0 : i32
    %scan3A_13 = arith.constant 125 : i32
    %scan3A_14 = arith.addi %scan3A_12, %scan3A_13 : i32
    %scan3A_15 = arith.constant 1 : i32
    scf.for %scan3A_23 = %scan3A_12 to %scan3A_14 step %scan3A_15  : i32 {
      %mul3A_24 = arith.constant 1 : i32
      %mul3A_25 = arith.muli %scan3A_23, %mul3A_24 : i32
      %add3A_26 = arith.constant 0 : i32
      %add3A_27 = arith.addi %add3A_26, %mul3A_25 : i32
      %mul3A_28 = arith.constant 80 : i32
      %mul3A_29 = arith.muli %add3A_27, %mul3A_28 : i32
      %add3A_30 = arith.addi %mul3A_11, %mul3A_29 : i32
      "tpu.region"() ({
        %run_scoped3A = tpu.sem_alloc : memref<!tpu.dma_semaphore, #tpu.memory_space<semaphore_mem>>
        %dma_start3A_35 = tpu.memref_slice %arg3[%add3A_30] : memref<320000xi32, #tpu.memory_space<hbm>> -> memref<80xi32, #tpu.memory_space<hbm>>
        %dma_start3A_36 = tpu.memref_slice %arg3[%add3A_30] : memref<320000xi32, #tpu.memory_space<hbm>> -> memref<80xi32, #tpu.memory_space<hbm>>
        tpu.enqueue_dma source(%dma_start3A_36 : memref<80xi32, #tpu.memory_space<hbm>>) target(%arg6 : memref<80xi32, #tpu.memory_space<vmem>>) target_semaphore(%run_scoped3A : memref<!tpu.dma_semaphore, #tpu.memory_space<semaphore_mem>>)
        %dma_wait3A_37 = tpu.memref_slice %arg3[%add3A_30] : memref<320000xi32, #tpu.memory_space<hbm>> -> memref<80xi32, #tpu.memory_space<hbm>>
        %dma_wait3A_38 = tpu.memref_slice %arg3[%add3A_30] : memref<320000xi32, #tpu.memory_space<hbm>> -> memref<80xi32, #tpu.memory_space<hbm>>
        tpu.wait_dma2 semaphore(%run_scoped3A : memref<!tpu.dma_semaphore, #tpu.memory_space<semaphore_mem>>) src(%dma_wait3A_38 : memref<80xi32, #tpu.memory_space<hbm>>) dst(%arg6 : memref<80xi32, #tpu.memory_space<vmem>>)
        tpu.yield
      }) : () -> ()
      "tpu.region"() ({
        %run_scoped3A = tpu.sem_alloc : memref<!tpu.dma_semaphore, #tpu.memory_space<semaphore_mem>>
        %dma_start3A_35 = tpu.memref_slice %arg4[%add3A_30] : memref<320000xi32, #tpu.memory_space<hbm>> -> memref<80xi32, #tpu.memory_space<hbm>>
        %dma_start3A_36 = tpu.memref_slice %arg4[%add3A_30] : memref<320000xi32, #tpu.memory_space<hbm>> -> memref<80xi32, #tpu.memory_space<hbm>>
        tpu.enqueue_dma source(%dma_start3A_36 : memref<80xi32, #tpu.memory_space<hbm>>) target(%arg7 : memref<80xi32, #tpu.memory_space<vmem>>) target_semaphore(%run_scoped3A : memref<!tpu.dma_semaphore, #tpu.memory_space<semaphore_mem>>)
        %dma_wait3A_37 = tpu.memref_slice %arg4[%add3A_30] : memref<320000xi32, #tpu.memory_space<hbm>> -> memref<80xi32, #tpu.memory_space<hbm>>
        %dma_wait3A_38 = tpu.memref_slice %arg4[%add3A_30] : memref<320000xi32, #tpu.memory_space<hbm>> -> memref<80xi32, #tpu.memory_space<hbm>>
        tpu.wait_dma2 semaphore(%run_scoped3A : memref<!tpu.dma_semaphore, #tpu.memory_space<semaphore_mem>>) src(%dma_wait3A_38 : memref<80xi32, #tpu.memory_space<hbm>>) dst(%arg7 : memref<80xi32, #tpu.memory_space<vmem>>)
        tpu.yield
      }) : () -> ()
      %dma_start3A = arith.constant 0 : i32
      %dma_start3A_31 = arith.constant 0 : i32
      %dma_start3A_32 = tpu.memref_slice %arg2[%dma_start3A, %dma_start3A_31] : memref<10000x64xf32, #tpu.memory_space<hbm>> -> memref<10000x64xf32, #tpu.memory_space<hbm>>
      tpu.enqueue_indirect_dma source(%dma_start3A_32 : memref<10000x64xf32, #tpu.memory_space<hbm>>) target(%arg8 : memref<80x64xf32, #tpu.memory_space<vmem>>) offsets(%arg6 : memref<80xi32, #tpu.memory_space<vmem>>) semaphore(%arg10 : memref<!tpu.dma_semaphore, #tpu.memory_space<semaphore_mem>>)
      %dma_wait3A = arith.constant 0 : i32
      %dma_wait3A_33 = arith.constant 0 : i32
      %dma_wait3A_34 = tpu.memref_slice %arg2[%dma_wait3A, %dma_wait3A_33] : memref<10000x64xf32, #tpu.memory_space<hbm>> -> memref<10000x64xf32, #tpu.memory_space<hbm>>
      tpu.wait_indirect_dma semaphore(%arg10 : memref<!tpu.dma_semaphore, #tpu.memory_space<semaphore_mem>>) src(%dma_wait3A_34 : memref<10000x64xf32, #tpu.memory_space<hbm>>) dst(%arg8 : memref<80x64xf32, #tpu.memory_space<vmem>>)
      "tpu.region"() ({
        %run_scoped3A = tpu.sem_alloc : memref<!tpu.dma_semaphore, #tpu.memory_space<semaphore_mem>>
        %dma_start3A_35 = arith.constant 0 : i32
        %dma_start3A_36 = arith.constant 0 : i32
        %dma_start3A_37 = tpu.memref_slice %arg9[%dma_start3A_35, %dma_start3A_36] : memref<10000x64xf32, #tpu.memory_space<vmem_shared>> -> memref<10000x64xf32, #tpu.memory_space<vmem_shared>>
        tpu.enqueue_indirect_dma source(%arg8 : memref<80x64xf32, #tpu.memory_space<vmem>>) target(%dma_start3A_37 : memref<10000x64xf32, #tpu.memory_space<vmem_shared>>) offsets(%arg7 : memref<80xi32, #tpu.memory_space<vmem>>) semaphore(%run_scoped3A : memref<!tpu.dma_semaphore, #tpu.memory_space<semaphore_mem>>) {add = true}
        %dma_wait3A_38 = arith.constant 0 : i32
        %dma_wait3A_39 = arith.constant 0 : i32
        %dma_wait3A_40 = tpu.memref_slice %arg9[%dma_wait3A_38, %dma_wait3A_39] : memref<10000x64xf32, #tpu.memory_space<vmem_shared>> -> memref<10000x64xf32, #tpu.memory_space<vmem_shared>>
        tpu.wait_indirect_dma semaphore(%run_scoped3A : memref<!tpu.dma_semaphore, #tpu.memory_space<semaphore_mem>>) src(%arg8 : memref<80x64xf32, #tpu.memory_space<vmem>>) dst(%dma_wait3A_40 : memref<10000x64xf32, #tpu.memory_space<vmem_shared>>)
        tpu.yield
      }) : () -> ()
    }
    %scan3A_16 = arith.constant 125 : i32
    %barrier3A_17 = arith.constant 0 : index
    tpu.barrier barrier_id(%barrier3A_17)
    %scan3A_18 = arith.constant 0 : i32
    %scan3A_19 = arith.constant 8 : i32
    %scan3A_20 = arith.addi %scan3A_18, %scan3A_19 : i32
    %scan3A_21 = arith.constant 1 : i32
    scf.for %scan3A_23 = %scan3A_18 to %scan3A_20 step %scan3A_21  : i32 {
      %mul3A_24 = arith.constant 1 : i32
      %mul3A_25 = arith.muli %scan3A_23, %mul3A_24 : i32
      %add3A_26 = arith.constant 0 : i32
      %add3A_27 = arith.addi %add3A_26, %mul3A_25 : i32
      %mul3A_28 = arith.constant 16 : i32
      %mul3A_29 = arith.muli %mul3A_28, %add3A_27 : i32
      %add3A_30 = arith.addi %arg1, %mul3A_29 : i32
      %lt3A = arith.constant 125 : i32
      %lt3A_31 = arith.cmpi slt, %add3A_30, %lt3A : i32
      %convert_element_type3A = arith.extui %lt3A_31 : i1 to i32
      %cond3A = arith.constant 0 : i32
      %cond3A_32 = arith.cmpi ne, %convert_element_type3A, %cond3A : i32
      scf.if %cond3A_32 {
        %mul3A_33 = arith.constant 80 : i32
        %mul3A_34 = arith.muli %add3A_30, %mul3A_33 : i32
        %mul3A_35 = arith.constant 80 : i32
        %mul3A_36 = arith.muli %add3A_30, %mul3A_35 : i32
        "tpu.region"() ({
          %run_scoped3A = tpu.sem_alloc : memref<!tpu.dma_semaphore, #tpu.memory_space<semaphore_mem>>
          %dma_start3A = arith.constant 0 : i32
          %dma_start3A_37 = tpu.memref_slice %arg5[%arg0, %mul3A_36, %dma_start3A] : memref<2x10000x64xf32, #tpu.memory_space<hbm>> -> memref<1x80x64xf32, #tpu.memory_space<hbm>>
          %dma_start3A_38 = tpu.memref_squeeze %dma_start3A_37 : memref<1x80x64xf32, #tpu.memory_space<hbm>> -> memref<80x64xf32, #tpu.memory_space<hbm>>
          %dma_start3A_39 = arith.constant 0 : i32
          %dma_start3A_40 = tpu.memref_slice %arg9[%mul3A_34, %dma_start3A_39] : memref<10000x64xf32, #tpu.memory_space<vmem_shared>> -> memref<80x64xf32, #tpu.memory_space<vmem_shared>>
          tpu.enqueue_dma source(%dma_start3A_40 : memref<80x64xf32, #tpu.memory_space<vmem_shared>>) target(%dma_start3A_38 : memref<80x64xf32, #tpu.memory_space<hbm>>) target_semaphore(%run_scoped3A : memref<!tpu.dma_semaphore, #tpu.memory_space<semaphore_mem>>)
          %dma_wait3A = arith.constant 0 : i32
          %dma_wait3A_41 = tpu.memref_slice %arg5[%arg0, %mul3A_36, %dma_wait3A] : memref<2x10000x64xf32, #tpu.memory_space<hbm>> -> memref<1x80x64xf32, #tpu.memory_space<hbm>>
          %dma_wait3A_42 = tpu.memref_squeeze %dma_wait3A_41 : memref<1x80x64xf32, #tpu.memory_space<hbm>> -> memref<80x64xf32, #tpu.memory_space<hbm>>
          %dma_wait3A_43 = arith.constant 0 : i32
          %dma_wait3A_44 = tpu.memref_slice %arg9[%mul3A_34, %dma_wait3A_43] : memref<10000x64xf32, #tpu.memory_space<vmem_shared>> -> memref<80x64xf32, #tpu.memory_space<vmem_shared>>
          tpu.wait_dma2 semaphore(%run_scoped3A : memref<!tpu.dma_semaphore, #tpu.memory_space<semaphore_mem>>) src(%dma_wait3A_44 : memref<80x64xf32, #tpu.memory_space<vmem_shared>>) dst(%dma_wait3A_42 : memref<80x64xf32, #tpu.memory_space<hbm>>)
          tpu.yield
        }) : () -> ()
      } else {
      }
    }
    %scan3A_22 = arith.constant 8 : i32
    return
  }
}

#map = affine_map<(d0, d1) -> (0)>
#map1 = affine_map<(d0, d1) -> (0, 0)>
module attributes {stable_mosaic.version = 14 : i64} {
  func.func @_sc_degree(%arg0: i32, %arg1: i32, %arg2: memref<320000xi32, #tpu.memory_space<hbm>>, %arg3: memref<32x10000xf32, #tpu.memory_space<hbm>>, %arg4: memref<10000xf32, #tpu.memory_space<vmem>>, %arg5: memref<80xi32, #tpu.memory_space<vmem>>) attributes {dimension_semantics = [#tpu.dimension_semantics<core_parallel>, #tpu.dimension_semantics<subcore_parallel>], iteration_bounds = array<i64: 2, 16>, scalar_prefetch = 0 : i64, scratch_operands = 2 : i64, tpu.core_type = #tpu.core_type<sc_vector_subcore>, window_params = [{transform_indices = #map}, {transform_indices = #map1}]} {
    %mul3A = arith.constant 16 : i32
    %mul3A_0 = arith.muli %arg0, %mul3A : i32
    %add3A = arith.addi %mul3A_0, %arg1 : i32
    %scan3A = arith.constant 0 : i32
    %scan3A_1 = arith.constant 625 : i32
    %scan3A_2 = arith.addi %scan3A, %scan3A_1 : i32
    %scan3A_3 = arith.constant 1 : i32
    scf.for %scan3A_12 = %scan3A to %scan3A_2 step %scan3A_3  : i32 {
      %mul3A_13 = arith.constant 1 : i32
      %mul3A_14 = arith.muli %scan3A_12, %mul3A_13 : i32
      %add3A_15 = arith.constant 0 : i32
      %add3A_16 = arith.addi %add3A_15, %mul3A_14 : i32
      %broadcast_in_dim3A = arith.constant 0.000000e+00 : f32
      %broadcast_in_dim3A_17 = vector.broadcast %broadcast_in_dim3A : f32 to vector<16xf32>
      %mul3A_18 = arith.constant 16 : i32
      %mul3A_19 = arith.muli %add3A_16, %mul3A_18 : i32
      %swap3A = arith.index_cast %mul3A_19 : i32 to index
      %swap3A_20 = tpu.vector_load %arg4[%swap3A] {strides = array<i32>} : memref<10000xf32, #tpu.memory_space<vmem>>, vector<16xf32>,
      tpu.vector_store %arg4[%swap3A], %broadcast_in_dim3A_17 {strides = array<i32>} : memref<10000xf32, #tpu.memory_space<vmem>>, vector<16xf32>,
    }
    %scan3A_4 = arith.constant 625 : i32
    %mul3A_5 = arith.constant 10000 : i32
    %mul3A_6 = arith.muli %add3A, %mul3A_5 : i32
    %scan3A_7 = arith.constant 0 : i32
    %scan3A_8 = arith.constant 125 : i32
    %scan3A_9 = arith.addi %scan3A_7, %scan3A_8 : i32
    %scan3A_10 = arith.constant 1 : i32
    scf.for %scan3A_12 = %scan3A_7 to %scan3A_9 step %scan3A_10  : i32 {
      %mul3A_13 = arith.constant 1 : i32
      %mul3A_14 = arith.muli %scan3A_12, %mul3A_13 : i32
      %add3A_15 = arith.constant 0 : i32
      %add3A_16 = arith.addi %add3A_15, %mul3A_14 : i32
      %mul3A_17 = arith.constant 80 : i32
      %mul3A_18 = arith.muli %add3A_16, %mul3A_17 : i32
      %add3A_19 = arith.addi %mul3A_6, %mul3A_18 : i32
      "tpu.region"() ({
        %run_scoped3A = tpu.sem_alloc : memref<!tpu.dma_semaphore, #tpu.memory_space<semaphore_mem>>
        %dma_start3A = tpu.memref_slice %arg2[%add3A_19] : memref<320000xi32, #tpu.memory_space<hbm>> -> memref<80xi32, #tpu.memory_space<hbm>>
        %dma_start3A_25 = tpu.memref_slice %arg2[%add3A_19] : memref<320000xi32, #tpu.memory_space<hbm>> -> memref<80xi32, #tpu.memory_space<hbm>>
        tpu.enqueue_dma source(%dma_start3A_25 : memref<80xi32, #tpu.memory_space<hbm>>) target(%arg5 : memref<80xi32, #tpu.memory_space<vmem>>) target_semaphore(%run_scoped3A : memref<!tpu.dma_semaphore, #tpu.memory_space<semaphore_mem>>)
        %dma_wait3A = tpu.memref_slice %arg2[%add3A_19] : memref<320000xi32, #tpu.memory_space<hbm>> -> memref<80xi32, #tpu.memory_space<hbm>>
        %dma_wait3A_26 = tpu.memref_slice %arg2[%add3A_19] : memref<320000xi32, #tpu.memory_space<hbm>> -> memref<80xi32, #tpu.memory_space<hbm>>
        tpu.wait_dma2 semaphore(%run_scoped3A : memref<!tpu.dma_semaphore, #tpu.memory_space<semaphore_mem>>) src(%dma_wait3A_26 : memref<80xi32, #tpu.memory_space<hbm>>) dst(%arg5 : memref<80xi32, #tpu.memory_space<vmem>>)
        tpu.yield
      }) : () -> ()
      %scan3A_20 = arith.constant 0 : i32
      %scan3A_21 = arith.constant 5 : i32
      %scan3A_22 = arith.addi %scan3A_20, %scan3A_21 : i32
      %scan3A_23 = arith.constant 1 : i32
      scf.for %scan3A_25 = %scan3A_20 to %scan3A_22 step %scan3A_23  : i32 {
        %mul3A_26 = arith.constant 1 : i32
        %mul3A_27 = arith.muli %scan3A_25, %mul3A_26 : i32
        %add3A_28 = arith.constant 0 : i32
        %add3A_29 = arith.addi %add3A_28, %mul3A_27 : i32
        %mul3A_30 = arith.constant 16 : i32
        %mul3A_31 = arith.muli %add3A_29, %mul3A_30 : i32
        %get3A = arith.index_cast %mul3A_31 : i32 to index
        %get3A_32 = tpu.vector_load %arg5[%get3A] {strides = array<i32>} : memref<80xi32, #tpu.memory_space<vmem>>, vector<16xi32>,
        %broadcast_in_dim3A = arith.constant 1.000000e+00 : f32
        %broadcast_in_dim3A_33 = vector.broadcast %broadcast_in_dim3A : f32 to vector<16xf32>
        tpu.vector_store_idx %arg4[%get3A_32], %broadcast_in_dim3A_33 {add = true} : memref<10000xf32, #tpu.memory_space<vmem>>[vector<16xi32>], vector<16xf32>,
      }
      %scan3A_24 = arith.constant 5 : i32
    }
    %scan3A_11 = arith.constant 125 : i32
    "tpu.region"() ({
      %run_scoped3A = tpu.sem_alloc : memref<!tpu.dma_semaphore, #tpu.memory_space<semaphore_mem>>
      %dma_start3A = arith.constant 0 : i32
      %dma_start3A_12 = tpu.memref_slice %arg3[%add3A, %dma_start3A] : memref<32x10000xf32, #tpu.memory_space<hbm>> -> memref<1x10000xf32, #tpu.memory_space<hbm>>
      %dma_start3A_13 = tpu.memref_squeeze %dma_start3A_12 : memref<1x10000xf32, #tpu.memory_space<hbm>> -> memref<10000xf32, #tpu.memory_space<hbm>>
      %dma_start3A_14 = arith.constant 0 : i32
      %dma_start3A_15 = tpu.memref_slice %arg3[%add3A, %dma_start3A_14] : memref<32x10000xf32, #tpu.memory_space<hbm>> -> memref<1x10000xf32, #tpu.memory_space<hbm>>
      %dma_start3A_16 = tpu.memref_squeeze %dma_start3A_15 : memref<1x10000xf32, #tpu.memory_space<hbm>> -> memref<10000xf32, #tpu.memory_space<hbm>>
      tpu.enqueue_dma source(%arg4 : memref<10000xf32, #tpu.memory_space<vmem>>) target(%dma_start3A_16 : memref<10000xf32, #tpu.memory_space<hbm>>) target_semaphore(%run_scoped3A : memref<!tpu.dma_semaphore, #tpu.memory_space<semaphore_mem>>)
      %dma_wait3A = arith.constant 0 : i32
      %dma_wait3A_17 = tpu.memref_slice %arg3[%add3A, %dma_wait3A] : memref<32x10000xf32, #tpu.memory_space<hbm>> -> memref<1x10000xf32, #tpu.memory_space<hbm>>
      %dma_wait3A_18 = tpu.memref_squeeze %dma_wait3A_17 : memref<1x10000xf32, #tpu.memory_space<hbm>> -> memref<10000xf32, #tpu.memory_space<hbm>>
      %dma_wait3A_19 = arith.constant 0 : i32
      %dma_wait3A_20 = tpu.memref_slice %arg3[%add3A, %dma_wait3A_19] : memref<32x10000xf32, #tpu.memory_space<hbm>> -> memref<1x10000xf32, #tpu.memory_space<hbm>>
      %dma_wait3A_21 = tpu.memref_squeeze %dma_wait3A_20 : memref<1x10000xf32, #tpu.memory_space<hbm>> -> memref<10000xf32, #tpu.memory_space<hbm>>
      tpu.wait_dma2 semaphore(%run_scoped3A : memref<!tpu.dma_semaphore, #tpu.memory_space<semaphore_mem>>) src(%arg4 : memref<10000xf32, #tpu.memory_space<vmem>>) dst(%dma_wait3A_21 : memref<10000xf32, #tpu.memory_space<hbm>>)
      tpu.yield
    }) : () -> ()
    return
  }
}

#map = affine_map<(d0, d1) -> (0, 0)>
#map1 = affine_map<(d0, d1) -> (0)>
#map2 = affine_map<(d0, d1) -> (0, 0, 0)>
module attributes {stable_mosaic.version = 14 : i64} {
  func.func @_sc_aggregate(%arg0: i32, %arg1: i32, %arg2: memref<10000x64xf32, #tpu.memory_space<hbm>>, %arg3: memref<320000xi32, #tpu.memory_space<hbm>>, %arg4: memref<320000xi32, #tpu.memory_space<hbm>>, %arg5: memref<2x10000x64xf32, #tpu.memory_space<hbm>>, %arg6: memref<80xi32, #tpu.memory_space<vmem>>, %arg7: memref<80xi32, #tpu.memory_space<vmem>>, %arg8: memref<80x64xf32, #tpu.memory_space<vmem>>, %arg9: memref<10000x64xf32, #tpu.memory_space<vmem_shared>>, %arg10: memref<!tpu.dma_semaphore, #tpu.memory_space<semaphore_mem>>) attributes {dimension_semantics = [#tpu.dimension_semantics<core_parallel>, #tpu.dimension_semantics<subcore_parallel>], iteration_bounds = array<i64: 2, 16>, scalar_prefetch = 0 : i64, scratch_operands = 5 : i64, tpu.core_type = #tpu.core_type<sc_vector_subcore>, window_params = [{transform_indices = #map}, {transform_indices = #map1}, {transform_indices = #map1}, {transform_indices = #map2}]} {
    %mul3A = arith.constant 16 : i32
    %mul3A_0 = arith.muli %arg0, %mul3A : i32
    %add3A = arith.addi %mul3A_0, %arg1 : i32
    %scan3A = arith.constant 0 : i32
    %scan3A_1 = arith.constant 80 : i32
    %scan3A_2 = arith.addi %scan3A, %scan3A_1 : i32
    %scan3A_3 = arith.constant 1 : i32
    scf.for %scan3A_23 = %scan3A to %scan3A_2 step %scan3A_3  : i32 {
      %mul3A_24 = arith.constant 1 : i32
      %mul3A_25 = arith.muli %scan3A_23, %mul3A_24 : i32
      %add3A_26 = arith.constant 0 : i32
      %add3A_27 = arith.addi %add3A_26, %mul3A_25 : i32
      %scan3A_28 = arith.constant 0 : i32
      %scan3A_29 = arith.constant 4 : i32
      %scan3A_30 = arith.addi %scan3A_28, %scan3A_29 : i32
      %scan3A_31 = arith.constant 1 : i32
      scf.for %scan3A_33 = %scan3A_28 to %scan3A_30 step %scan3A_31  : i32 {
        %mul3A_34 = arith.constant 1 : i32
        %mul3A_35 = arith.muli %scan3A_33, %mul3A_34 : i32
        %add3A_36 = arith.constant 0 : i32
        %add3A_37 = arith.addi %add3A_36, %mul3A_35 : i32
        %broadcast_in_dim3A = arith.constant 0.000000e+00 : f32
        %broadcast_in_dim3A_38 = vector.broadcast %broadcast_in_dim3A : f32 to vector<16xf32>
        %mul3A_39 = arith.constant 16 : i32
        %mul3A_40 = arith.muli %add3A_37, %mul3A_39 : i32
        %swap3A = arith.index_cast %add3A_27 : i32 to index
        %swap3A_41 = arith.index_cast %mul3A_40 : i32 to index
        %swap3A_42 = tpu.vector_load %arg8[%swap3A, %swap3A_41] {strides = array<i32>} : memref<80x64xf32, #tpu.memory_space<vmem>>, vector<16xf32>,
        tpu.vector_store %arg8[%swap3A, %swap3A_41], %broadcast_in_dim3A_38 {strides = array<i32>} : memref<80x64xf32, #tpu.memory_space<vmem>>, vector<16xf32>,
      }
      %scan3A_32 = arith.constant 4 : i32
    }
    %scan3A_4 = arith.constant 80 : i32
    %scan3A_5 = arith.constant 0 : i32
    %scan3A_6 = arith.constant 8 : i32
    %scan3A_7 = arith.addi %scan3A_5, %scan3A_6 : i32
    %scan3A_8 = arith.constant 1 : i32
    scf.for %scan3A_23 = %scan3A_5 to %scan3A_7 step %scan3A_8  : i32 {
      %mul3A_24 = arith.constant 1 : i32
      %mul3A_25 = arith.muli %scan3A_23, %mul3A_24 : i32
      %add3A_26 = arith.constant 0 : i32
      %add3A_27 = arith.addi %add3A_26, %mul3A_25 : i32
      %mul3A_28 = arith.constant 16 : i32
      %mul3A_29 = arith.muli %mul3A_28, %add3A_27 : i32
      %add3A_30 = arith.addi %arg1, %mul3A_29 : i32
      %lt3A = arith.constant 125 : i32
      %lt3A_31 = arith.cmpi slt, %add3A_30, %lt3A : i32
      %convert_element_type3A = arith.extui %lt3A_31 : i1 to i32
      %cond3A = arith.constant 0 : i32
      %cond3A_32 = arith.cmpi ne, %convert_element_type3A, %cond3A : i32
      scf.if %cond3A_32 {
        %mul3A_33 = arith.constant 80 : i32
        %mul3A_34 = arith.muli %add3A_30, %mul3A_33 : i32
        "tpu.region"() ({
          %run_scoped3A = tpu.sem_alloc : memref<!tpu.dma_semaphore, #tpu.memory_space<semaphore_mem>>
          %dma_start3A = arith.constant 0 : i32
          %dma_start3A_35 = tpu.memref_slice %arg9[%mul3A_34, %dma_start3A] : memref<10000x64xf32, #tpu.memory_space<vmem_shared>> -> memref<80x64xf32, #tpu.memory_space<vmem_shared>>
          %dma_start3A_36 = arith.constant 0 : i32
          %dma_start3A_37 = tpu.memref_slice %arg9[%mul3A_34, %dma_start3A_36] : memref<10000x64xf32, #tpu.memory_space<vmem_shared>> -> memref<80x64xf32, #tpu.memory_space<vmem_shared>>
          tpu.enqueue_dma source(%arg8 : memref<80x64xf32, #tpu.memory_space<vmem>>) target(%dma_start3A_37 : memref<80x64xf32, #tpu.memory_space<vmem_shared>>) target_semaphore(%run_scoped3A : memref<!tpu.dma_semaphore, #tpu.memory_space<semaphore_mem>>)
          %dma_wait3A = arith.constant 0 : i32
          %dma_wait3A_38 = tpu.memref_slice %arg9[%mul3A_34, %dma_wait3A] : memref<10000x64xf32, #tpu.memory_space<vmem_shared>> -> memref<80x64xf32, #tpu.memory_space<vmem_shared>>
          %dma_wait3A_39 = arith.constant 0 : i32
          %dma_wait3A_40 = tpu.memref_slice %arg9[%mul3A_34, %dma_wait3A_39] : memref<10000x64xf32, #tpu.memory_space<vmem_shared>> -> memref<80x64xf32, #tpu.memory_space<vmem_shared>>
          tpu.wait_dma2 semaphore(%run_scoped3A : memref<!tpu.dma_semaphore, #tpu.memory_space<semaphore_mem>>) src(%arg8 : memref<80x64xf32, #tpu.memory_space<vmem>>) dst(%dma_wait3A_40 : memref<80x64xf32, #tpu.memory_space<vmem_shared>>)
          tpu.yield
        }) : () -> ()
      } else {
      }
    }
    %scan3A_9 = arith.constant 8 : i32
    %barrier3A = arith.constant 0 : index
    tpu.barrier barrier_id(%barrier3A)
    %mul3A_10 = arith.constant 10000 : i32
    %mul3A_11 = arith.muli %add3A, %mul3A_10 : i32
    %scan3A_12 = arith.constant 0 : i32
    %scan3A_13 = arith.constant 125 : i32
    %scan3A_14 = arith.addi %scan3A_12, %scan3A_13 : i32
    %scan3A_15 = arith.constant 1 : i32
    scf.for %scan3A_23 = %scan3A_12 to %scan3A_14 step %scan3A_15  : i32 {
      %mul3A_24 = arith.constant 1 : i32
      %mul3A_25 = arith.muli %scan3A_23, %mul3A_24 : i32
      %add3A_26 = arith.constant 0 : i32
      %add3A_27 = arith.addi %add3A_26, %mul3A_25 : i32
      %mul3A_28 = arith.constant 80 : i32
      %mul3A_29 = arith.muli %add3A_27, %mul3A_28 : i32
      %add3A_30 = arith.addi %mul3A_11, %mul3A_29 : i32
      "tpu.region"() ({
        %run_scoped3A = tpu.sem_alloc : memref<!tpu.dma_semaphore, #tpu.memory_space<semaphore_mem>>
        %dma_start3A_35 = tpu.memref_slice %arg3[%add3A_30] : memref<320000xi32, #tpu.memory_space<hbm>> -> memref<80xi32, #tpu.memory_space<hbm>>
        %dma_start3A_36 = tpu.memref_slice %arg3[%add3A_30] : memref<320000xi32, #tpu.memory_space<hbm>> -> memref<80xi32, #tpu.memory_space<hbm>>
        tpu.enqueue_dma source(%dma_start3A_36 : memref<80xi32, #tpu.memory_space<hbm>>) target(%arg6 : memref<80xi32, #tpu.memory_space<vmem>>) target_semaphore(%run_scoped3A : memref<!tpu.dma_semaphore, #tpu.memory_space<semaphore_mem>>)
        %dma_wait3A_37 = tpu.memref_slice %arg3[%add3A_30] : memref<320000xi32, #tpu.memory_space<hbm>> -> memref<80xi32, #tpu.memory_space<hbm>>
        %dma_wait3A_38 = tpu.memref_slice %arg3[%add3A_30] : memref<320000xi32, #tpu.memory_space<hbm>> -> memref<80xi32, #tpu.memory_space<hbm>>
        tpu.wait_dma2 semaphore(%run_scoped3A : memref<!tpu.dma_semaphore, #tpu.memory_space<semaphore_mem>>) src(%dma_wait3A_38 : memref<80xi32, #tpu.memory_space<hbm>>) dst(%arg6 : memref<80xi32, #tpu.memory_space<vmem>>)
        tpu.yield
      }) : () -> ()
      "tpu.region"() ({
        %run_scoped3A = tpu.sem_alloc : memref<!tpu.dma_semaphore, #tpu.memory_space<semaphore_mem>>
        %dma_start3A_35 = tpu.memref_slice %arg4[%add3A_30] : memref<320000xi32, #tpu.memory_space<hbm>> -> memref<80xi32, #tpu.memory_space<hbm>>
        %dma_start3A_36 = tpu.memref_slice %arg4[%add3A_30] : memref<320000xi32, #tpu.memory_space<hbm>> -> memref<80xi32, #tpu.memory_space<hbm>>
        tpu.enqueue_dma source(%dma_start3A_36 : memref<80xi32, #tpu.memory_space<hbm>>) target(%arg7 : memref<80xi32, #tpu.memory_space<vmem>>) target_semaphore(%run_scoped3A : memref<!tpu.dma_semaphore, #tpu.memory_space<semaphore_mem>>)
        %dma_wait3A_37 = tpu.memref_slice %arg4[%add3A_30] : memref<320000xi32, #tpu.memory_space<hbm>> -> memref<80xi32, #tpu.memory_space<hbm>>
        %dma_wait3A_38 = tpu.memref_slice %arg4[%add3A_30] : memref<320000xi32, #tpu.memory_space<hbm>> -> memref<80xi32, #tpu.memory_space<hbm>>
        tpu.wait_dma2 semaphore(%run_scoped3A : memref<!tpu.dma_semaphore, #tpu.memory_space<semaphore_mem>>) src(%dma_wait3A_38 : memref<80xi32, #tpu.memory_space<hbm>>) dst(%arg7 : memref<80xi32, #tpu.memory_space<vmem>>)
        tpu.yield
      }) : () -> ()
      %dma_start3A = arith.constant 0 : i32
      %dma_start3A_31 = arith.constant 0 : i32
      %dma_start3A_32 = tpu.memref_slice %arg2[%dma_start3A, %dma_start3A_31] : memref<10000x64xf32, #tpu.memory_space<hbm>> -> memref<10000x64xf32, #tpu.memory_space<hbm>>
      tpu.enqueue_indirect_dma source(%dma_start3A_32 : memref<10000x64xf32, #tpu.memory_space<hbm>>) target(%arg8 : memref<80x64xf32, #tpu.memory_space<vmem>>) offsets(%arg6 : memref<80xi32, #tpu.memory_space<vmem>>) semaphore(%arg10 : memref<!tpu.dma_semaphore, #tpu.memory_space<semaphore_mem>>)
      %dma_wait3A = arith.constant 0 : i32
      %dma_wait3A_33 = arith.constant 0 : i32
      %dma_wait3A_34 = tpu.memref_slice %arg2[%dma_wait3A, %dma_wait3A_33] : memref<10000x64xf32, #tpu.memory_space<hbm>> -> memref<10000x64xf32, #tpu.memory_space<hbm>>
      tpu.wait_indirect_dma semaphore(%arg10 : memref<!tpu.dma_semaphore, #tpu.memory_space<semaphore_mem>>) src(%dma_wait3A_34 : memref<10000x64xf32, #tpu.memory_space<hbm>>) dst(%arg8 : memref<80x64xf32, #tpu.memory_space<vmem>>)
      "tpu.region"() ({
        %run_scoped3A = tpu.sem_alloc : memref<!tpu.dma_semaphore, #tpu.memory_space<semaphore_mem>>
        %dma_start3A_35 = arith.constant 0 : i32
        %dma_start3A_36 = arith.constant 0 : i32
        %dma_start3A_37 = tpu.memref_slice %arg9[%dma_start3A_35, %dma_start3A_36] : memref<10000x64xf32, #tpu.memory_space<vmem_shared>> -> memref<10000x64xf32, #tpu.memory_space<vmem_shared>>
        tpu.enqueue_indirect_dma source(%arg8 : memref<80x64xf32, #tpu.memory_space<vmem>>) target(%dma_start3A_37 : memref<10000x64xf32, #tpu.memory_space<vmem_shared>>) offsets(%arg7 : memref<80xi32, #tpu.memory_space<vmem>>) semaphore(%run_scoped3A : memref<!tpu.dma_semaphore, #tpu.memory_space<semaphore_mem>>) {add = true}
        %dma_wait3A_38 = arith.constant 0 : i32
        %dma_wait3A_39 = arith.constant 0 : i32
        %dma_wait3A_40 = tpu.memref_slice %arg9[%dma_wait3A_38, %dma_wait3A_39] : memref<10000x64xf32, #tpu.memory_space<vmem_shared>> -> memref<10000x64xf32, #tpu.memory_space<vmem_shared>>
        tpu.wait_indirect_dma semaphore(%run_scoped3A : memref<!tpu.dma_semaphore, #tpu.memory_space<semaphore_mem>>) src(%arg8 : memref<80x64xf32, #tpu.memory_space<vmem>>) dst(%dma_wait3A_40 : memref<10000x64xf32, #tpu.memory_space<vmem_shared>>)
        tpu.yield
      }) : () -> ()
    }
    %scan3A_16 = arith.constant 125 : i32
    %barrier3A_17 = arith.constant 0 : index
    tpu.barrier barrier_id(%barrier3A_17)
    %scan3A_18 = arith.constant 0 : i32
    %scan3A_19 = arith.constant 8 : i32
    %scan3A_20 = arith.addi %scan3A_18, %scan3A_19 : i32
    %scan3A_21 = arith.constant 1 : i32
    scf.for %scan3A_23 = %scan3A_18 to %scan3A_20 step %scan3A_21  : i32 {
      %mul3A_24 = arith.constant 1 : i32
      %mul3A_25 = arith.muli %scan3A_23, %mul3A_24 : i32
      %add3A_26 = arith.constant 0 : i32
      %add3A_27 = arith.addi %add3A_26, %mul3A_25 : i32
      %mul3A_28 = arith.constant 16 : i32
      %mul3A_29 = arith.muli %mul3A_28, %add3A_27 : i32
      %add3A_30 = arith.addi %arg1, %mul3A_29 : i32
      %lt3A = arith.constant 125 : i32
      %lt3A_31 = arith.cmpi slt, %add3A_30, %lt3A : i32
      %convert_element_type3A = arith.extui %lt3A_31 : i1 to i32
      %cond3A = arith.constant 0 : i32
      %cond3A_32 = arith.cmpi ne, %convert_element_type3A, %cond3A : i32
      scf.if %cond3A_32 {
        %mul3A_33 = arith.constant 80 : i32
        %mul3A_34 = arith.muli %add3A_30, %mul3A_33 : i32
        %mul3A_35 = arith.constant 80 : i32
        %mul3A_36 = arith.muli %add3A_30, %mul3A_35 : i32
        "tpu.region"() ({
          %run_scoped3A = tpu.sem_alloc : memref<!tpu.dma_semaphore, #tpu.memory_space<semaphore_mem>>
          %dma_start3A = arith.constant 0 : i32
          %dma_start3A_37 = tpu.memref_slice %arg5[%arg0, %mul3A_36, %dma_start3A] : memref<2x10000x64xf32, #tpu.memory_space<hbm>> -> memref<1x80x64xf32, #tpu.memory_space<hbm>>
          %dma_start3A_38 = tpu.memref_squeeze %dma_start3A_37 : memref<1x80x64xf32, #tpu.memory_space<hbm>> -> memref<80x64xf32, #tpu.memory_space<hbm>>
          %dma_start3A_39 = arith.constant 0 : i32
          %dma_start3A_40 = tpu.memref_slice %arg9[%mul3A_34, %dma_start3A_39] : memref<10000x64xf32, #tpu.memory_space<vmem_shared>> -> memref<80x64xf32, #tpu.memory_space<vmem_shared>>
          tpu.enqueue_dma source(%dma_start3A_40 : memref<80x64xf32, #tpu.memory_space<vmem_shared>>) target(%dma_start3A_38 : memref<80x64xf32, #tpu.memory_space<hbm>>) target_semaphore(%run_scoped3A : memref<!tpu.dma_semaphore, #tpu.memory_space<semaphore_mem>>)
          %dma_wait3A = arith.constant 0 : i32
          %dma_wait3A_41 = tpu.memref_slice %arg5[%arg0, %mul3A_36, %dma_wait3A] : memref<2x10000x64xf32, #tpu.memory_space<hbm>> -> memref<1x80x64xf32, #tpu.memory_space<hbm>>
          %dma_wait3A_42 = tpu.memref_squeeze %dma_wait3A_41 : memref<1x80x64xf32, #tpu.memory_space<hbm>> -> memref<80x64xf32, #tpu.memory_space<hbm>>
          %dma_wait3A_43 = arith.constant 0 : i32
          %dma_wait3A_44 = tpu.memref_slice %arg9[%mul3A_34, %dma_wait3A_43] : memref<10000x64xf32, #tpu.memory_space<vmem_shared>> -> memref<80x64xf32, #tpu.memory_space<vmem_shared>>
          tpu.wait_dma2 semaphore(%run_scoped3A : memref<!tpu.dma_semaphore, #tpu.memory_space<semaphore_mem>>) src(%dma_wait3A_44 : memref<80x64xf32, #tpu.memory_space<vmem_shared>>) dst(%dma_wait3A_42 : memref<80x64xf32, #tpu.memory_space<hbm>>)
          tpu.yield
        }) : () -> ()
      } else {
      }
    }
    %scan3A_22 = arith.constant 8 : i32
    return
  }
}

#map = affine_map<(d0, d1) -> (0, 0)>
#map1 = affine_map<(d0, d1) -> (0)>
#map2 = affine_map<(d0, d1) -> (0, 0, 0)>
module attributes {stable_mosaic.version = 14 : i64} {
  func.func @_sc_aggregate(%arg0: i32, %arg1: i32, %arg2: memref<10000x64xf32, #tpu.memory_space<hbm>>, %arg3: memref<320000xi32, #tpu.memory_space<hbm>>, %arg4: memref<320000xi32, #tpu.memory_space<hbm>>, %arg5: memref<2x10000x64xf32, #tpu.memory_space<hbm>>, %arg6: memref<80xi32, #tpu.memory_space<vmem>>, %arg7: memref<80xi32, #tpu.memory_space<vmem>>, %arg8: memref<80x64xf32, #tpu.memory_space<vmem>>, %arg9: memref<10000x64xf32, #tpu.memory_space<vmem_shared>>, %arg10: memref<!tpu.dma_semaphore, #tpu.memory_space<semaphore_mem>>) attributes {dimension_semantics = [#tpu.dimension_semantics<core_parallel>, #tpu.dimension_semantics<subcore_parallel>], iteration_bounds = array<i64: 2, 16>, scalar_prefetch = 0 : i64, scratch_operands = 5 : i64, tpu.core_type = #tpu.core_type<sc_vector_subcore>, window_params = [{transform_indices = #map}, {transform_indices = #map1}, {transform_indices = #map1}, {transform_indices = #map2}]} {
    %mul3A = arith.constant 16 : i32
    %mul3A_0 = arith.muli %arg0, %mul3A : i32
    %add3A = arith.addi %mul3A_0, %arg1 : i32
    %scan3A = arith.constant 0 : i32
    %scan3A_1 = arith.constant 80 : i32
    %scan3A_2 = arith.addi %scan3A, %scan3A_1 : i32
    %scan3A_3 = arith.constant 1 : i32
    scf.for %scan3A_23 = %scan3A to %scan3A_2 step %scan3A_3  : i32 {
      %mul3A_24 = arith.constant 1 : i32
      %mul3A_25 = arith.muli %scan3A_23, %mul3A_24 : i32
      %add3A_26 = arith.constant 0 : i32
      %add3A_27 = arith.addi %add3A_26, %mul3A_25 : i32
      %scan3A_28 = arith.constant 0 : i32
      %scan3A_29 = arith.constant 4 : i32
      %scan3A_30 = arith.addi %scan3A_28, %scan3A_29 : i32
      %scan3A_31 = arith.constant 1 : i32
      scf.for %scan3A_33 = %scan3A_28 to %scan3A_30 step %scan3A_31  : i32 {
        %mul3A_34 = arith.constant 1 : i32
        %mul3A_35 = arith.muli %scan3A_33, %mul3A_34 : i32
        %add3A_36 = arith.constant 0 : i32
        %add3A_37 = arith.addi %add3A_36, %mul3A_35 : i32
        %broadcast_in_dim3A = arith.constant 0.000000e+00 : f32
        %broadcast_in_dim3A_38 = vector.broadcast %broadcast_in_dim3A : f32 to vector<16xf32>
        %mul3A_39 = arith.constant 16 : i32
        %mul3A_40 = arith.muli %add3A_37, %mul3A_39 : i32
        %swap3A = arith.index_cast %add3A_27 : i32 to index
        %swap3A_41 = arith.index_cast %mul3A_40 : i32 to index
        %swap3A_42 = tpu.vector_load %arg8[%swap3A, %swap3A_41] {strides = array<i32>} : memref<80x64xf32, #tpu.memory_space<vmem>>, vector<16xf32>,
        tpu.vector_store %arg8[%swap3A, %swap3A_41], %broadcast_in_dim3A_38 {strides = array<i32>} : memref<80x64xf32, #tpu.memory_space<vmem>>, vector<16xf32>,
      }
      %scan3A_32 = arith.constant 4 : i32
    }
    %scan3A_4 = arith.constant 80 : i32
    %scan3A_5 = arith.constant 0 : i32
    %scan3A_6 = arith.constant 8 : i32
    %scan3A_7 = arith.addi %scan3A_5, %scan3A_6 : i32
    %scan3A_8 = arith.constant 1 : i32
    scf.for %scan3A_23 = %scan3A_5 to %scan3A_7 step %scan3A_8  : i32 {
      %mul3A_24 = arith.constant 1 : i32
      %mul3A_25 = arith.muli %scan3A_23, %mul3A_24 : i32
      %add3A_26 = arith.constant 0 : i32
      %add3A_27 = arith.addi %add3A_26, %mul3A_25 : i32
      %mul3A_28 = arith.constant 16 : i32
      %mul3A_29 = arith.muli %mul3A_28, %add3A_27 : i32
      %add3A_30 = arith.addi %arg1, %mul3A_29 : i32
      %lt3A = arith.constant 125 : i32
      %lt3A_31 = arith.cmpi slt, %add3A_30, %lt3A : i32
      %convert_element_type3A = arith.extui %lt3A_31 : i1 to i32
      %cond3A = arith.constant 0 : i32
      %cond3A_32 = arith.cmpi ne, %convert_element_type3A, %cond3A : i32
      scf.if %cond3A_32 {
        %mul3A_33 = arith.constant 80 : i32
        %mul3A_34 = arith.muli %add3A_30, %mul3A_33 : i32
        "tpu.region"() ({
          %run_scoped3A = tpu.sem_alloc : memref<!tpu.dma_semaphore, #tpu.memory_space<semaphore_mem>>
          %dma_start3A = arith.constant 0 : i32
          %dma_start3A_35 = tpu.memref_slice %arg9[%mul3A_34, %dma_start3A] : memref<10000x64xf32, #tpu.memory_space<vmem_shared>> -> memref<80x64xf32, #tpu.memory_space<vmem_shared>>
          %dma_start3A_36 = arith.constant 0 : i32
          %dma_start3A_37 = tpu.memref_slice %arg9[%mul3A_34, %dma_start3A_36] : memref<10000x64xf32, #tpu.memory_space<vmem_shared>> -> memref<80x64xf32, #tpu.memory_space<vmem_shared>>
          tpu.enqueue_dma source(%arg8 : memref<80x64xf32, #tpu.memory_space<vmem>>) target(%dma_start3A_37 : memref<80x64xf32, #tpu.memory_space<vmem_shared>>) target_semaphore(%run_scoped3A : memref<!tpu.dma_semaphore, #tpu.memory_space<semaphore_mem>>)
          %dma_wait3A = arith.constant 0 : i32
          %dma_wait3A_38 = tpu.memref_slice %arg9[%mul3A_34, %dma_wait3A] : memref<10000x64xf32, #tpu.memory_space<vmem_shared>> -> memref<80x64xf32, #tpu.memory_space<vmem_shared>>
          %dma_wait3A_39 = arith.constant 0 : i32
          %dma_wait3A_40 = tpu.memref_slice %arg9[%mul3A_34, %dma_wait3A_39] : memref<10000x64xf32, #tpu.memory_space<vmem_shared>> -> memref<80x64xf32, #tpu.memory_space<vmem_shared>>
          tpu.wait_dma2 semaphore(%run_scoped3A : memref<!tpu.dma_semaphore, #tpu.memory_space<semaphore_mem>>) src(%arg8 : memref<80x64xf32, #tpu.memory_space<vmem>>) dst(%dma_wait3A_40 : memref<80x64xf32, #tpu.memory_space<vmem_shared>>)
          tpu.yield
        }) : () -> ()
      } else {
      }
    }
    %scan3A_9 = arith.constant 8 : i32
    %barrier3A = arith.constant 0 : index
    tpu.barrier barrier_id(%barrier3A)
    %mul3A_10 = arith.constant 10000 : i32
    %mul3A_11 = arith.muli %add3A, %mul3A_10 : i32
    %scan3A_12 = arith.constant 0 : i32
    %scan3A_13 = arith.constant 125 : i32
    %scan3A_14 = arith.addi %scan3A_12, %scan3A_13 : i32
    %scan3A_15 = arith.constant 1 : i32
    scf.for %scan3A_23 = %scan3A_12 to %scan3A_14 step %scan3A_15  : i32 {
      %mul3A_24 = arith.constant 1 : i32
      %mul3A_25 = arith.muli %scan3A_23, %mul3A_24 : i32
      %add3A_26 = arith.constant 0 : i32
      %add3A_27 = arith.addi %add3A_26, %mul3A_25 : i32
      %mul3A_28 = arith.constant 80 : i32
      %mul3A_29 = arith.muli %add3A_27, %mul3A_28 : i32
      %add3A_30 = arith.addi %mul3A_11, %mul3A_29 : i32
      "tpu.region"() ({
        %run_scoped3A = tpu.sem_alloc : memref<!tpu.dma_semaphore, #tpu.memory_space<semaphore_mem>>
        %dma_start3A_35 = tpu.memref_slice %arg3[%add3A_30] : memref<320000xi32, #tpu.memory_space<hbm>> -> memref<80xi32, #tpu.memory_space<hbm>>
        %dma_start3A_36 = tpu.memref_slice %arg3[%add3A_30] : memref<320000xi32, #tpu.memory_space<hbm>> -> memref<80xi32, #tpu.memory_space<hbm>>
        tpu.enqueue_dma source(%dma_start3A_36 : memref<80xi32, #tpu.memory_space<hbm>>) target(%arg6 : memref<80xi32, #tpu.memory_space<vmem>>) target_semaphore(%run_scoped3A : memref<!tpu.dma_semaphore, #tpu.memory_space<semaphore_mem>>)
        %dma_wait3A_37 = tpu.memref_slice %arg3[%add3A_30] : memref<320000xi32, #tpu.memory_space<hbm>> -> memref<80xi32, #tpu.memory_space<hbm>>
        %dma_wait3A_38 = tpu.memref_slice %arg3[%add3A_30] : memref<320000xi32, #tpu.memory_space<hbm>> -> memref<80xi32, #tpu.memory_space<hbm>>
        tpu.wait_dma2 semaphore(%run_scoped3A : memref<!tpu.dma_semaphore, #tpu.memory_space<semaphore_mem>>) src(%dma_wait3A_38 : memref<80xi32, #tpu.memory_space<hbm>>) dst(%arg6 : memref<80xi32, #tpu.memory_space<vmem>>)
        tpu.yield
      }) : () -> ()
      "tpu.region"() ({
        %run_scoped3A = tpu.sem_alloc : memref<!tpu.dma_semaphore, #tpu.memory_space<semaphore_mem>>
        %dma_start3A_35 = tpu.memref_slice %arg4[%add3A_30] : memref<320000xi32, #tpu.memory_space<hbm>> -> memref<80xi32, #tpu.memory_space<hbm>>
        %dma_start3A_36 = tpu.memref_slice %arg4[%add3A_30] : memref<320000xi32, #tpu.memory_space<hbm>> -> memref<80xi32, #tpu.memory_space<hbm>>
        tpu.enqueue_dma source(%dma_start3A_36 : memref<80xi32, #tpu.memory_space<hbm>>) target(%arg7 : memref<80xi32, #tpu.memory_space<vmem>>) target_semaphore(%run_scoped3A : memref<!tpu.dma_semaphore, #tpu.memory_space<semaphore_mem>>)
        %dma_wait3A_37 = tpu.memref_slice %arg4[%add3A_30] : memref<320000xi32, #tpu.memory_space<hbm>> -> memref<80xi32, #tpu.memory_space<hbm>>
        %dma_wait3A_38 = tpu.memref_slice %arg4[%add3A_30] : memref<320000xi32, #tpu.memory_space<hbm>> -> memref<80xi32, #tpu.memory_space<hbm>>
        tpu.wait_dma2 semaphore(%run_scoped3A : memref<!tpu.dma_semaphore, #tpu.memory_space<semaphore_mem>>) src(%dma_wait3A_38 : memref<80xi32, #tpu.memory_space<hbm>>) dst(%arg7 : memref<80xi32, #tpu.memory_space<vmem>>)
        tpu.yield
      }) : () -> ()
      %dma_start3A = arith.constant 0 : i32
      %dma_start3A_31 = arith.constant 0 : i32
      %dma_start3A_32 = tpu.memref_slice %arg2[%dma_start3A, %dma_start3A_31] : memref<10000x64xf32, #tpu.memory_space<hbm>> -> memref<10000x64xf32, #tpu.memory_space<hbm>>
      tpu.enqueue_indirect_dma source(%dma_start3A_32 : memref<10000x64xf32, #tpu.memory_space<hbm>>) target(%arg8 : memref<80x64xf32, #tpu.memory_space<vmem>>) offsets(%arg6 : memref<80xi32, #tpu.memory_space<vmem>>) semaphore(%arg10 : memref<!tpu.dma_semaphore, #tpu.memory_space<semaphore_mem>>)
      %dma_wait3A = arith.constant 0 : i32
      %dma_wait3A_33 = arith.constant 0 : i32
      %dma_wait3A_34 = tpu.memref_slice %arg2[%dma_wait3A, %dma_wait3A_33] : memref<10000x64xf32, #tpu.memory_space<hbm>> -> memref<10000x64xf32, #tpu.memory_space<hbm>>
      tpu.wait_indirect_dma semaphore(%arg10 : memref<!tpu.dma_semaphore, #tpu.memory_space<semaphore_mem>>) src(%dma_wait3A_34 : memref<10000x64xf32, #tpu.memory_space<hbm>>) dst(%arg8 : memref<80x64xf32, #tpu.memory_space<vmem>>)
      "tpu.region"() ({
        %run_scoped3A = tpu.sem_alloc : memref<!tpu.dma_semaphore, #tpu.memory_space<semaphore_mem>>
        %dma_start3A_35 = arith.constant 0 : i32
        %dma_start3A_36 = arith.constant 0 : i32
        %dma_start3A_37 = tpu.memref_slice %arg9[%dma_start3A_35, %dma_start3A_36] : memref<10000x64xf32, #tpu.memory_space<vmem_shared>> -> memref<10000x64xf32, #tpu.memory_space<vmem_shared>>
        tpu.enqueue_indirect_dma source(%arg8 : memref<80x64xf32, #tpu.memory_space<vmem>>) target(%dma_start3A_37 : memref<10000x64xf32, #tpu.memory_space<vmem_shared>>) offsets(%arg7 : memref<80xi32, #tpu.memory_space<vmem>>) semaphore(%run_scoped3A : memref<!tpu.dma_semaphore, #tpu.memory_space<semaphore_mem>>) {add = true}
        %dma_wait3A_38 = arith.constant 0 : i32
        %dma_wait3A_39 = arith.constant 0 : i32
        %dma_wait3A_40 = tpu.memref_slice %arg9[%dma_wait3A_38, %dma_wait3A_39] : memref<10000x64xf32, #tpu.memory_space<vmem_shared>> -> memref<10000x64xf32, #tpu.memory_space<vmem_shared>>
        tpu.wait_indirect_dma semaphore(%run_scoped3A : memref<!tpu.dma_semaphore, #tpu.memory_space<semaphore_mem>>) src(%arg8 : memref<80x64xf32, #tpu.memory_space<vmem>>) dst(%dma_wait3A_40 : memref<10000x64xf32, #tpu.memory_space<vmem_shared>>)
        tpu.yield
      }) : () -> ()
    }
    %scan3A_16 = arith.constant 125 : i32
    %barrier3A_17 = arith.constant 0 : index
    tpu.barrier barrier_id(%barrier3A_17)
    %scan3A_18 = arith.constant 0 : i32
    %scan3A_19 = arith.constant 8 : i32
    %scan3A_20 = arith.addi %scan3A_18, %scan3A_19 : i32
    %scan3A_21 = arith.constant 1 : i32
    scf.for %scan3A_23 = %scan3A_18 to %scan3A_20 step %scan3A_21  : i32 {
      %mul3A_24 = arith.constant 1 : i32
      %mul3A_25 = arith.muli %scan3A_23, %mul3A_24 : i32
      %add3A_26 = arith.constant 0 : i32
      %add3A_27 = arith.addi %add3A_26, %mul3A_25 : i32
      %mul3A_28 = arith.constant 16 : i32
      %mul3A_29 = arith.muli %mul3A_28, %add3A_27 : i32
      %add3A_30 = arith.addi %arg1, %mul3A_29 : i32
      %lt3A = arith.constant 125 : i32
      %lt3A_31 = arith.cmpi slt, %add3A_30, %lt3A : i32
      %convert_element_type3A = arith.extui %lt3A_31 : i1 to i32
      %cond3A = arith.constant 0 : i32
      %cond3A_32 = arith.cmpi ne, %convert_element_type3A, %cond3A : i32
      scf.if %cond3A_32 {
        %mul3A_33 = arith.constant 80 : i32
        %mul3A_34 = arith.muli %add3A_30, %mul3A_33 : i32
        %mul3A_35 = arith.constant 80 : i32
        %mul3A_36 = arith.muli %add3A_30, %mul3A_35 : i32
        "tpu.region"() ({
          %run_scoped3A = tpu.sem_alloc : memref<!tpu.dma_semaphore, #tpu.memory_space<semaphore_mem>>
          %dma_start3A = arith.constant 0 : i32
          %dma_start3A_37 = tpu.memref_slice %arg5[%arg0, %mul3A_36, %dma_start3A] : memref<2x10000x64xf32, #tpu.memory_space<hbm>> -> memref<1x80x64xf32, #tpu.memory_space<hbm>>
          %dma_start3A_38 = tpu.memref_squeeze %dma_start3A_37 : memref<1x80x64xf32, #tpu.memory_space<hbm>> -> memref<80x64xf32, #tpu.memory_space<hbm>>
          %dma_start3A_39 = arith.constant 0 : i32
          %dma_start3A_40 = tpu.memref_slice %arg9[%mul3A_34, %dma_start3A_39] : memref<10000x64xf32, #tpu.memory_space<vmem_shared>> -> memref<80x64xf32, #tpu.memory_space<vmem_shared>>
          tpu.enqueue_dma source(%dma_start3A_40 : memref<80x64xf32, #tpu.memory_space<vmem_shared>>) target(%dma_start3A_38 : memref<80x64xf32, #tpu.memory_space<hbm>>) target_semaphore(%run_scoped3A : memref<!tpu.dma_semaphore, #tpu.memory_space<semaphore_mem>>)
          %dma_wait3A = arith.constant 0 : i32
          %dma_wait3A_41 = tpu.memref_slice %arg5[%arg0, %mul3A_36, %dma_wait3A] : memref<2x10000x64xf32, #tpu.memory_space<hbm>> -> memref<1x80x64xf32, #tpu.memory_space<hbm>>
          %dma_wait3A_42 = tpu.memref_squeeze %dma_wait3A_41 : memref<1x80x64xf32, #tpu.memory_space<hbm>> -> memref<80x64xf32, #tpu.memory_space<hbm>>
          %dma_wait3A_43 = arith.constant 0 : i32
          %dma_wait3A_44 = tpu.memref_slice %arg9[%mul3A_34, %dma_wait3A_43] : memref<10000x64xf32, #tpu.memory_space<vmem_shared>> -> memref<80x64xf32, #tpu.memory_space<vmem_shared>>
          tpu.wait_dma2 semaphore(%run_scoped3A : memref<!tpu.dma_semaphore, #tpu.memory_space<semaphore_mem>>) src(%dma_wait3A_44 : memref<80x64xf32, #tpu.memory_space<vmem_shared>>) dst(%dma_wait3A_42 : memref<80x64xf32, #tpu.memory_space<hbm>>)
          tpu.yield
        }) : () -> ()
      } else {
      }
    }
    %scan3A_22 = arith.constant 8 : i32
    return
  }
}

module attributes {stable_mosaic.version = 14 : i64} {
  func.func @_tc_prep_body(%arg0: memref<32x10000xf32, #tpu.memory_space<vmem>>, %arg1: memref<10000x128xf32, #tpu.memory_space<vmem>>, %arg2: memref<128x64xf32, #tpu.memory_space<vmem>>, %arg3: memref<10000x1xf32, #tpu.memory_space<vmem>>, %arg4: memref<10000x64xf32, #tpu.memory_space<vmem>>) attributes {dimension_semantics = [], scalar_prefetch = 0 : i64, scratch_operands = 0 : i64, tpu.core_type = #tpu.core_type<tc>} {
    %get3A = arith.constant 0 : index
    %get3A_0 = arith.constant 0 : index
    %get3A_1 = vector.load %arg0[%get3A, %get3A_0] : memref<32x10000xf32, #tpu.memory_space<vmem>>, vector<32x10000xf32>
    %reduce_sum3A = arith.constant dense<0.000000e+00> : vector<10000xf32>
    %reduce_sum3A_2 = vector.multi_reduction <add>, %get3A_1, %reduce_sum3A [0] : vector<32x10000xf32> to vector<10000xf32>
    %add3A = arith.constant 1.000000e+00 : f32
    %add3A_3 = vector.broadcast %add3A : f32 to vector<10000xf32>
    %add3A_4 = arith.addf %add3A_3, %reduce_sum3A_2 : vector<10000xf32>
    %rsqrt3A = math.rsqrt %add3A_4 : vector<10000xf32>
    %broadcast_in_dim3A = vector.shape_cast %rsqrt3A : vector<10000xf32> to vector<10000x1xf32>
    %swap3A = arith.constant 0 : index
    %swap3A_5 = arith.constant 0 : index
    %swap3A_6 = vector.load %arg3[%swap3A, %swap3A_5] : memref<10000x1xf32, #tpu.memory_space<vmem>>, vector<10000x1xf32>
    tpu.vector_store %arg3[%swap3A, %swap3A_5], %broadcast_in_dim3A {strides = array<i32>} : memref<10000x1xf32, #tpu.memory_space<vmem>>, vector<10000x1xf32>,
    %get3A_7 = arith.constant 0 : index
    %get3A_8 = arith.constant 0 : index
    %get3A_9 = vector.load %arg1[%get3A_7, %get3A_8] : memref<10000x128xf32, #tpu.memory_space<vmem>>, vector<10000x128xf32>
    %get3A_10 = arith.constant 0 : index
    %get3A_11 = arith.constant 0 : index
    %get3A_12 = vector.load %arg2[%get3A_10, %get3A_11] : memref<128x64xf32, #tpu.memory_space<vmem>>, vector<128x64xf32>
    %dot_general3A = arith.constant dense<0.000000e+00> : vector<10000x64xf32>
    %dot_general3A_13 = tpu.matmul %get3A_9, %get3A_12, %dot_general3A {dimension_numbers = #tpu.dot_dimension_numbers<[1], [0], [0], [1], [0, 0, 1, 1], [], []>, transpose_lhs_hint = false} : vector<10000x128xf32>, vector<128x64xf32>, vector<10000x64xf32> -> vector<10000x64xf32>
    %mul3A = vector.broadcast %broadcast_in_dim3A : vector<10000x1xf32> to vector<10000x64xf32>
    %mul3A_14 = arith.mulf %mul3A, %dot_general3A_13 : vector<10000x64xf32>
    %swap3A_15 = arith.constant 0 : index
    %swap3A_16 = arith.constant 0 : index
    %swap3A_17 = vector.load %arg4[%swap3A_15, %swap3A_16] : memref<10000x64xf32, #tpu.memory_space<vmem>>, vector<10000x64xf32>
    tpu.vector_store %arg4[%swap3A_15, %swap3A_16], %mul3A_14 {strides = array<i32>} : memref<10000x64xf32, #tpu.memory_space<vmem>>, vector<10000x64xf32>,
    return
  }
}

module attributes {stable_mosaic.version = 14 : i64} {
  func.func @_tc_mid_body(%arg0: memref<2x10000x64xf32, #tpu.memory_space<vmem>>, %arg1: memref<10000x64xf32, #tpu.memory_space<vmem>>, %arg2: memref<10000x1xf32, #tpu.memory_space<vmem>>, %arg3: memref<1x64xf32, #tpu.memory_space<vmem>>, %arg4: memref<1x64xf32, #tpu.memory_space<vmem>>, %arg5: memref<1x64xf32, #tpu.memory_space<vmem>>, %arg6: memref<64x64xf32, #tpu.memory_space<vmem>>, %arg7: memref<10000x64xf32, #tpu.memory_space<vmem>>) attributes {dimension_semantics = [], scalar_prefetch = 0 : i64, scratch_operands = 0 : i64, tpu.core_type = #tpu.core_type<tc>} {
    %get3A = arith.constant 0 : index
    %get3A_0 = arith.constant 0 : index
    %get3A_1 = vector.load %arg1[%get3A, %get3A_0] : memref<10000x64xf32, #tpu.memory_space<vmem>>, vector<10000x64xf32>
    %get3A_2 = arith.constant 0 : index
    %get3A_3 = arith.constant 0 : index
    %get3A_4 = vector.load %arg2[%get3A_2, %get3A_3] : memref<10000x1xf32, #tpu.memory_space<vmem>>, vector<10000x1xf32>
    %get3A_5 = arith.constant 0 : index
    %get3A_6 = arith.constant 0 : index
    %get3A_7 = arith.constant 0 : index
    %get3A_8 = vector.load %arg0[%get3A_5, %get3A_6, %get3A_7] : memref<2x10000x64xf32, #tpu.memory_space<vmem>>, vector<1x10000x64xf32>
    %get3A_9 = vector.shape_cast %get3A_8 : vector<1x10000x64xf32> to vector<10000x64xf32>
    %get3A_10 = arith.constant 1 : index
    %get3A_11 = arith.constant 0 : index
    %get3A_12 = arith.constant 0 : index
    %get3A_13 = vector.load %arg0[%get3A_10, %get3A_11, %get3A_12] : memref<2x10000x64xf32, #tpu.memory_space<vmem>>, vector<1x10000x64xf32>
    %get3A_14 = vector.shape_cast %get3A_13 : vector<1x10000x64xf32> to vector<10000x64xf32>
    %add3A = arith.addf %get3A_9, %get3A_14 : vector<10000x64xf32>
    %add3A_15 = arith.addf %add3A, %get3A_1 : vector<10000x64xf32>
    %mul3A = vector.broadcast %get3A_4 : vector<10000x1xf32> to vector<10000x64xf32>
    %mul3A_16 = arith.mulf %mul3A, %add3A_15 : vector<10000x64xf32>
    %get3A_17 = arith.constant 0 : index
    %get3A_18 = arith.constant 0 : index
    %get3A_19 = vector.load %arg3[%get3A_17, %get3A_18] : memref<1x64xf32, #tpu.memory_space<vmem>>, vector<1x64xf32>
    %add3A_20 = vector.broadcast %get3A_19 : vector<1x64xf32> to vector<10000x64xf32>
    %add3A_21 = arith.addf %mul3A_16, %add3A_20 : vector<10000x64xf32>
    %get3A_22 = arith.constant 0 : index
    %get3A_23 = arith.constant 0 : index
    %get3A_24 = vector.load %arg4[%get3A_22, %get3A_23] : memref<1x64xf32, #tpu.memory_space<vmem>>, vector<1x64xf32>
    %get3A_25 = arith.constant 0 : index
    %get3A_26 = arith.constant 0 : index
    %get3A_27 = vector.load %arg5[%get3A_25, %get3A_26] : memref<1x64xf32, #tpu.memory_space<vmem>>, vector<1x64xf32>
    %reduce_sum3A = arith.constant dense<0.000000e+00> : vector<64xf32>
    %reduce_sum3A_28 = vector.multi_reduction <add>, %add3A_21, %reduce_sum3A [0] : vector<10000x64xf32> to vector<64xf32>
    %broadcast_in_dim3A = vector.shape_cast %reduce_sum3A_28 : vector<64xf32> to vector<1x64xf32>
    %div3A = arith.constant 1.000000e+04 : f32
    %div3A_29 = vector.broadcast %div3A : f32 to vector<1x64xf32>
    %div3A_30 = arith.divf %broadcast_in_dim3A, %div3A_29 : vector<1x64xf32>
    %sub3A = vector.broadcast %div3A_30 : vector<1x64xf32> to vector<10000x64xf32>
    %sub3A_31 = arith.subf %add3A_21, %sub3A : vector<10000x64xf32>
    %mul3A_32 = arith.mulf %sub3A_31, %sub3A_31 : vector<10000x64xf32>
    %reduce_sum3A_33 = arith.constant dense<0.000000e+00> : vector<64xf32>
    %reduce_sum3A_34 = vector.multi_reduction <add>, %mul3A_32, %reduce_sum3A_33 [0] : vector<10000x64xf32> to vector<64xf32>
    %broadcast_in_dim3A_35 = vector.shape_cast %reduce_sum3A_34 : vector<64xf32> to vector<1x64xf32>
    %div3A_36 = arith.constant 1.000000e+04 : f32
    %div3A_37 = vector.broadcast %div3A_36 : f32 to vector<1x64xf32>
    %div3A_38 = arith.divf %broadcast_in_dim3A_35, %div3A_37 : vector<1x64xf32>
    %add3A_39 = arith.constant 9.99999974E-6 : f32
    %add3A_40 = vector.broadcast %add3A_39 : f32 to vector<1x64xf32>
    %add3A_41 = arith.addf %div3A_38, %add3A_40 : vector<1x64xf32>
    %rsqrt3A = math.rsqrt %add3A_41 : vector<1x64xf32>
    %mul3A_42 = vector.broadcast %rsqrt3A : vector<1x64xf32> to vector<10000x64xf32>
    %mul3A_43 = arith.mulf %sub3A_31, %mul3A_42 : vector<10000x64xf32>
    %mul3A_44 = vector.broadcast %get3A_24 : vector<1x64xf32> to vector<10000x64xf32>
    %mul3A_45 = arith.mulf %mul3A_43, %mul3A_44 : vector<10000x64xf32>
    %add3A_46 = vector.broadcast %get3A_27 : vector<1x64xf32> to vector<10000x64xf32>
    %add3A_47 = arith.addf %mul3A_45, %add3A_46 : vector<10000x64xf32>
    %max3A = arith.constant 0.000000e+00 : f32
    %max3A_48 = vector.broadcast %max3A : f32 to vector<10000x64xf32>
    %max3A_49 = arith.maximumf %add3A_47, %max3A_48 : vector<10000x64xf32>
    %get3A_50 = arith.constant 0 : index
    %get3A_51 = arith.constant 0 : index
    %get3A_52 = vector.load %arg6[%get3A_50, %get3A_51] : memref<64x64xf32, #tpu.memory_space<vmem>>, vector<64x64xf32>
    %dot_general3A = arith.constant dense<0.000000e+00> : vector<10000x64xf32>
    %dot_general3A_53 = tpu.matmul %max3A_49, %get3A_52, %dot_general3A {dimension_numbers = #tpu.dot_dimension_numbers<[1], [0], [0], [1], [0, 0, 1, 1], [], []>, transpose_lhs_hint = false} : vector<10000x64xf32>, vector<64x64xf32>, vector<10000x64xf32> -> vector<10000x64xf32>
    %mul3A_54 = vector.broadcast %get3A_4 : vector<10000x1xf32> to vector<10000x64xf32>
    %mul3A_55 = arith.mulf %mul3A_54, %dot_general3A_53 : vector<10000x64xf32>
    %swap3A = arith.constant 0 : index
    %swap3A_56 = arith.constant 0 : index
    %swap3A_57 = vector.load %arg7[%swap3A, %swap3A_56] : memref<10000x64xf32, #tpu.memory_space<vmem>>, vector<10000x64xf32>
    tpu.vector_store %arg7[%swap3A, %swap3A_56], %mul3A_55 {strides = array<i32>} : memref<10000x64xf32, #tpu.memory_space<vmem>>, vector<10000x64xf32>,
    return
  }
}

module attributes {stable_mosaic.version = 14 : i64} {
  func.func @_tc_final_body(%arg0: memref<2x10000x64xf32, #tpu.memory_space<vmem>>, %arg1: memref<10000x64xf32, #tpu.memory_space<vmem>>, %arg2: memref<10000x1xf32, #tpu.memory_space<vmem>>, %arg3: memref<1x64xf32, #tpu.memory_space<vmem>>, %arg4: memref<1x64xf32, #tpu.memory_space<vmem>>, %arg5: memref<1x64xf32, #tpu.memory_space<vmem>>, %arg6: memref<64x32xf32, #tpu.memory_space<vmem>>, %arg7: memref<1x32xf32, #tpu.memory_space<vmem>>, %arg8: memref<32x1xf32, #tpu.memory_space<vmem>>, %arg9: memref<1x1xf32, #tpu.memory_space<vmem>>, %arg10: memref<10000x1xf32, #tpu.memory_space<vmem>>) attributes {dimension_semantics = [], scalar_prefetch = 0 : i64, scratch_operands = 0 : i64, tpu.core_type = #tpu.core_type<tc>} {
    %get3A = arith.constant 0 : index
    %get3A_0 = arith.constant 0 : index
    %get3A_1 = vector.load %arg1[%get3A, %get3A_0] : memref<10000x64xf32, #tpu.memory_space<vmem>>, vector<10000x64xf32>
    %get3A_2 = arith.constant 0 : index
    %get3A_3 = arith.constant 0 : index
    %get3A_4 = vector.load %arg2[%get3A_2, %get3A_3] : memref<10000x1xf32, #tpu.memory_space<vmem>>, vector<10000x1xf32>
    %get3A_5 = arith.constant 0 : index
    %get3A_6 = arith.constant 0 : index
    %get3A_7 = arith.constant 0 : index
    %get3A_8 = vector.load %arg0[%get3A_5, %get3A_6, %get3A_7] : memref<2x10000x64xf32, #tpu.memory_space<vmem>>, vector<1x10000x64xf32>
    %get3A_9 = vector.shape_cast %get3A_8 : vector<1x10000x64xf32> to vector<10000x64xf32>
    %get3A_10 = arith.constant 1 : index
    %get3A_11 = arith.constant 0 : index
    %get3A_12 = arith.constant 0 : index
    %get3A_13 = vector.load %arg0[%get3A_10, %get3A_11, %get3A_12] : memref<2x10000x64xf32, #tpu.memory_space<vmem>>, vector<1x10000x64xf32>
    %get3A_14 = vector.shape_cast %get3A_13 : vector<1x10000x64xf32> to vector<10000x64xf32>
    %add3A = arith.addf %get3A_9, %get3A_14 : vector<10000x64xf32>
    %add3A_15 = arith.addf %add3A, %get3A_1 : vector<10000x64xf32>
    %mul3A = vector.broadcast %get3A_4 : vector<10000x1xf32> to vector<10000x64xf32>
    %mul3A_16 = arith.mulf %mul3A, %add3A_15 : vector<10000x64xf32>
    %get3A_17 = arith.constant 0 : index
    %get3A_18 = arith.constant 0 : index
    %get3A_19 = vector.load %arg3[%get3A_17, %get3A_18] : memref<1x64xf32, #tpu.memory_space<vmem>>, vector<1x64xf32>
    %add3A_20 = vector.broadcast %get3A_19 : vector<1x64xf32> to vector<10000x64xf32>
    %add3A_21 = arith.addf %mul3A_16, %add3A_20 : vector<10000x64xf32>
    %get3A_22 = arith.constant 0 : index
    %get3A_23 = arith.constant 0 : index
    %get3A_24 = vector.load %arg4[%get3A_22, %get3A_23] : memref<1x64xf32, #tpu.memory_space<vmem>>, vector<1x64xf32>
    %get3A_25 = arith.constant 0 : index
    %get3A_26 = arith.constant 0 : index
    %get3A_27 = vector.load %arg5[%get3A_25, %get3A_26] : memref<1x64xf32, #tpu.memory_space<vmem>>, vector<1x64xf32>
    %reduce_sum3A = arith.constant dense<0.000000e+00> : vector<64xf32>
    %reduce_sum3A_28 = vector.multi_reduction <add>, %add3A_21, %reduce_sum3A [0] : vector<10000x64xf32> to vector<64xf32>
    %broadcast_in_dim3A = vector.shape_cast %reduce_sum3A_28 : vector<64xf32> to vector<1x64xf32>
    %div3A = arith.constant 1.000000e+04 : f32
    %div3A_29 = vector.broadcast %div3A : f32 to vector<1x64xf32>
    %div3A_30 = arith.divf %broadcast_in_dim3A, %div3A_29 : vector<1x64xf32>
    %sub3A = vector.broadcast %div3A_30 : vector<1x64xf32> to vector<10000x64xf32>
    %sub3A_31 = arith.subf %add3A_21, %sub3A : vector<10000x64xf32>
    %mul3A_32 = arith.mulf %sub3A_31, %sub3A_31 : vector<10000x64xf32>
    %reduce_sum3A_33 = arith.constant dense<0.000000e+00> : vector<64xf32>
    %reduce_sum3A_34 = vector.multi_reduction <add>, %mul3A_32, %reduce_sum3A_33 [0] : vector<10000x64xf32> to vector<64xf32>
    %broadcast_in_dim3A_35 = vector.shape_cast %reduce_sum3A_34 : vector<64xf32> to vector<1x64xf32>
    %div3A_36 = arith.constant 1.000000e+04 : f32
    %div3A_37 = vector.broadcast %div3A_36 : f32 to vector<1x64xf32>
    %div3A_38 = arith.divf %broadcast_in_dim3A_35, %div3A_37 : vector<1x64xf32>
    %add3A_39 = arith.constant 9.99999974E-6 : f32
    %add3A_40 = vector.broadcast %add3A_39 : f32 to vector<1x64xf32>
    %add3A_41 = arith.addf %div3A_38, %add3A_40 : vector<1x64xf32>
    %rsqrt3A = math.rsqrt %add3A_41 : vector<1x64xf32>
    %mul3A_42 = vector.broadcast %rsqrt3A : vector<1x64xf32> to vector<10000x64xf32>
    %mul3A_43 = arith.mulf %sub3A_31, %mul3A_42 : vector<10000x64xf32>
    %mul3A_44 = vector.broadcast %get3A_24 : vector<1x64xf32> to vector<10000x64xf32>
    %mul3A_45 = arith.mulf %mul3A_43, %mul3A_44 : vector<10000x64xf32>
    %add3A_46 = vector.broadcast %get3A_27 : vector<1x64xf32> to vector<10000x64xf32>
    %add3A_47 = arith.addf %mul3A_45, %add3A_46 : vector<10000x64xf32>
    %max3A = arith.constant 0.000000e+00 : f32
    %max3A_48 = vector.broadcast %max3A : f32 to vector<10000x64xf32>
    %max3A_49 = arith.maximumf %add3A_47, %max3A_48 : vector<10000x64xf32>
    %get3A_50 = arith.constant 0 : index
    %get3A_51 = arith.constant 0 : index
    %get3A_52 = vector.load %arg6[%get3A_50, %get3A_51] : memref<64x32xf32, #tpu.memory_space<vmem>>, vector<64x32xf32>
    %dot_general3A = arith.constant dense<0.000000e+00> : vector<10000x32xf32>
    %dot_general3A_53 = tpu.matmul %max3A_49, %get3A_52, %dot_general3A {dimension_numbers = #tpu.dot_dimension_numbers<[1], [0], [0], [1], [0, 0, 1, 1], [], []>, transpose_lhs_hint = false} : vector<10000x64xf32>, vector<64x32xf32>, vector<10000x32xf32> -> vector<10000x32xf32>
    %get3A_54 = arith.constant 0 : index
    %get3A_55 = arith.constant 0 : index
    %get3A_56 = vector.load %arg7[%get3A_54, %get3A_55] : memref<1x32xf32, #tpu.memory_space<vmem>>, vector<1x32xf32>
    %add3A_57 = vector.broadcast %get3A_56 : vector<1x32xf32> to vector<10000x32xf32>
    %add3A_58 = arith.addf %dot_general3A_53, %add3A_57 : vector<10000x32xf32>
    %max3A_59 = arith.constant 0.000000e+00 : f32
    %max3A_60 = vector.broadcast %max3A_59 : f32 to vector<10000x32xf32>
    %max3A_61 = arith.maximumf %add3A_58, %max3A_60 : vector<10000x32xf32>
    %get3A_62 = arith.constant 0 : index
    %get3A_63 = arith.constant 0 : index
    %get3A_64 = vector.load %arg8[%get3A_62, %get3A_63] : memref<32x1xf32, #tpu.memory_space<vmem>>, vector<32x1xf32>
    %dot_general3A_65 = arith.constant dense<0.000000e+00> : vector<10000x1xf32>
    %dot_general3A_66 = tpu.matmul %max3A_61, %get3A_64, %dot_general3A_65 {dimension_numbers = #tpu.dot_dimension_numbers<[1], [0], [0], [1], [0, 0, 1, 1], [], []>, transpose_lhs_hint = false} : vector<10000x32xf32>, vector<32x1xf32>, vector<10000x1xf32> -> vector<10000x1xf32>
    %get3A_67 = arith.constant 0 : index
    %get3A_68 = arith.constant 0 : index
    %get3A_69 = vector.load %arg9[%get3A_67, %get3A_68] : memref<1x1xf32, #tpu.memory_space<vmem>>, vector<1x1xf32>
    %add3A_70 = vector.broadcast %get3A_69 : vector<1x1xf32> to vector<10000x1xf32>
    %add3A_71 = arith.addf %dot_general3A_66, %add3A_70 : vector<10000x1xf32>
    %swap3A = arith.constant 0 : index
    %swap3A_72 = arith.constant 0 : index
    %swap3A_73 = vector.load %arg10[%swap3A, %swap3A_72] : memref<10000x1xf32, #tpu.memory_space<vmem>>, vector<10000x1xf32>
    tpu.vector_store %arg10[%swap3A, %swap3A_72], %add3A_71 {strides = array<i32>} : memref<10000x1xf32, #tpu.memory_space<vmem>>, vector<10000x1xf32>,
    return
  }
}

</mosaic_0001>

<sc_bundles>
// kernel: kernel.10.cloned.1.call-start
scs
__scs_entry_jumppad:
0x0: {  	(pc) =	sbr.rel $0x88, $3  }
0x1: {  	(tag) =	ssettag $0x0;
	lr =	simm.s32 $0x1  }
0x2: {  	[smem:$0x3F8F] =	sst lr;
	_ =	strace $0xD0000000  }
0x3: {  	_ = 	snop  }
0x4: {  	_ = 	snop  }
0x5: {  	_ = 	snop  }
0x6: {  	_ = 	snop  }
0x7: {  	_ = 	snop  }
__scs_overlays_trampoline_lowered:
0x8: {  	[smem:$0x3F9E] =	sst s0  }
0x9: {  	[smem:$0x3F9F] =	sst s1  }
0xa: {  	[smem:$0x3FA0] =	sst s2  }
0xb: {  	[smem:$0x3FA1] =	sst s3  }
0xc: {  	[smem:$0x3FA2] =	sst s4  }
0xd: {  	[smem:$0x3FA3] =	sst s5  }
0xe: {  	[smem:$0x3FA4] =	sst s6  }
0xf: {  	[smem:$0x3FA5] =	sst s7  }
0x10: {  	[smem:$0x3FA6] =	sst s8  }
0x11: {  	[smem:$0x3FA7] =	sst s9;
	s0 =	simm.s32 @!p0 $0x0  }
0x12: {  	s1 =	sld [smem:$0x3F8D];
	s0 =	simm.s32 @p0 $0x1  }
0x13: {  	[smem:$0x3FA8] =	sst s0;
	s0 =	simm.s32 @!p1 $0x0  }
0x14: {  	s2 =	sld [smem:$0x3F8C];
	s0 =	simm.s32 @p1 $0x1  }
0x15: {  	[smem:$0x3FA9] =	sst s0;
	s0 =	simm.s32 @!p2 $0x0  }
0x16: {  	s3 =	sld [smem:$0x3FDB];
	s0 =	simm.s32 @p2 $0x1  }
0x17: {  	s4 =	simm.s32 $0x1BF5;
	[smem:$0x3FAB] =	sst s0  }
0x18: {  	s0 =	sld [smem:$0x3F8E];
	_ =	swait.ge [sflag:s4], $0x0  }
0x19: {  	s7 =	sld [smem:$0x3F8F]  }
0x1a: {  	s8 =	sadd.s32 $0xFFFFE003, lr  }
0x1b: {  	s9 =	sadd.s32 $0xFFFFFEF7, lr;
	s5 =	simm.s32 $0xFFFFFFFF;
	p2 =	slt.u32 s8, $0xFFFFF086  }
0x1c: {  	p1 =	slt.u32 s9, $0xF7A;
	s5 =	simm.s32 @!p2 $0x0  }
0x1d: {  	s5 =	simm.s32 @p1 $0x1;
	p0 =	seq.s32 s7, s2  }
0x1e: {  	s7 =	smul.u32 @!p0 $0xF7A, s2;
	p2 =	seq.s32 @!p0 s5, $0x0  }
0x1f: {  	s9 =	smul.u32 $0xF7A, s1;
	s8 =	simm.s32 @!p0 $0x1BF5;
	p2 =	por !p2, p0  }
0x20: {  	[sflag:s8] =	ssyncset.s32 @!p0 $0xFFFFF086;
	s6 =	sadd.s32 @!p0 s3, s7;
	s7 =	simm.s32 @!p0 $0x108  }
0x21: {  	s3 =	sadd.s32 s3, s9;
	s6 =	sadd.s32 @!p0 $0x88, s6;
	s7 =	simm.s32 @p2 $0x1082  }
0x22: {  	[simem:s7], [sflag:s8] =	dma.local @!p0 [hbm:s6], $0xF7A  }
0x23: {  	s9 =	sor.u32 $0xD0000000, s2;
	s6 =	simm.s32 $0x108;
	_ =	swait.ge @!p0 [sflag:s8], $0x0  }
0x24: {  	s3 =	sadd.s32 $0x88, s3;
	s6 =	simm.s32 @!p1 $0x1082;
	[sflag:s4] =	ssyncset.s32 $0xFFFFF086  }
0x25: {  	[simem:s6], [sflag:s4] =	dma.local [hbm:s3], $0xF7A  }
0x26: {  	[smem:$0x3F8F] =	sst s1;
	(tag) =	ssettag s2;
	_ =	strace s9  }
0x27: {  	s1 =	sld [smem:$0x3F9F]  }
0x28: {  	s2 =	sld [smem:$0x3FA0]  }
0x29: {  	s4 =	sld [smem:$0x3FA2]  }
0x2a: {  	p0 =	seq.s32 s5, $0x0;
	s5 =	sld [smem:$0x3FA3]  }
0x2b: {  	s6 =	sld [smem:$0x3FA4]  }
0x2c: {  	s7 =	sld [smem:$0x3FA5]  }
0x2d: {  	s3 =	simm.s32 $0x108;
	s8 =	sld [smem:$0x3FA6]  }
0x2e: {  	s3 =	simm.s32 @!p0 $0x1082;
	s9 =	sld [smem:$0x3FA7]  }
0x2f: {  	lr =	sadd.s32 s0, s3;
	s0 =	sld [smem:$0x3F9E]  }
0x30: {  	s3 =	sld [smem:$0x3FA1]  }
0x31: {  	[smem:$0x3FAA] =	sst s10  }
0x32: {  	s10 =	sld [smem:$0x3FA8];
	_ =	sdelay $0x3  }
0x33: {  	p0 =	seq.s32 s10, $0x1;
	s10 =	sld [smem:$0x3FAA];
	_ =	sdelay $0x3  }
0x34: {  	[smem:$0x3FAA] =	sst s10  }
0x35: {  	s10 =	sld [smem:$0x3FA9];
	_ =	sdelay $0x3  }
0x36: {  	p1 =	seq.s32 s10, $0x1;
	s10 =	sld [smem:$0x3FAA];
	_ =	sdelay $0x3  }
0x37: {  	[smem:$0x3FAA] =	sst s10  }
0x38: {  	s10 =	sld [smem:$0x3FAB]  }
0x39: {  	_ = 	snop;
	(pc) =	sbr.ind lr, $3  }
0x3a: {  	_ = 	snop  }
0x3b: {  	_ = 	snop  }
0x3c: {  	p2 =	seq.s32 s10, $0x1;
	s10 =	sld [smem:$0x3FAA]  }
0x3d: {  	_ =	shalt  }
0x3e: {  	_ =	shalt  }
0x3f: {  	_ =	shalt  }
0x40: {  	_ =	shalt  }
0x41: {  	_ =	shalt  }
0x42: {  	_ =	shalt  }
0x43: {  	_ =	shalt  }
0x44: {  	_ =	shalt  }
0x45: {  	_ =	shalt  }
0x46: {  	_ =	shalt  }
0x47: {  	_ =	shalt  }
0x48: {  	_ =	shalt  }
0x49: {  	_ =	shalt  }
0x4a: {  	_ =	shalt  }
0x4b: {  	_ =	shalt  }
0x4c: {  	_ =	shalt  }
0x4d: {  	_ =	shalt  }
0x4e: {  	_ =	shalt  }
0x4f: {  	_ =	shalt  }
0x50: {  	_ =	shalt  }
0x51: {  	_ =	shalt  }
0x52: {  	_ =	shalt  }
0x53: {  	_ =	shalt  }
0x54: {  	_ =	shalt  }
0x55: {  	_ =	shalt  }
0x56: {  	_ =	shalt  }
0x57: {  	_ =	shalt  }
0x58: {  	_ =	shalt  }
0x59: {  	_ =	shalt  }
0x5a: {  	_ =	shalt  }
0x5b: {  	_ =	shalt  }
0x5c: {  	_ =	shalt  }
0x5d: {  	_ =	shalt  }
0x5e: {  	_ =	shalt  }
0x5f: {  	_ =	shalt  }
0x60: {  	_ =	shalt  }
0x61: {  	_ =	shalt  }
0x62: {  	_ =	shalt  }
0x63: {  	_ =	shalt  }
0x64: {  	_ =	shalt  }
0x65: {  	_ =	shalt  }
0x66: {  	_ =	shalt  }
0x67: {  	_ =	shalt  }
0x68: {  	_ =	shalt  }
0x69: {  	_ =	shalt  }
0x6a: {  	_ =	shalt  }
0x6b: {  	_ =	shalt  }
0x6c: {  	_ =	shalt  }
0x6d: {  	_ =	shalt  }
0x6e: {  	_ =	shalt  }
0x6f: {  	_ =	shalt  }
0x70: {  	_ =	shalt  }
0x71: {  	_ =	shalt  }
0x72: {  	_ =	shalt  }
0x73: {  	_ =	shalt  }
0x74: {  	_ =	shalt  }
0x75: {  	_ =	shalt  }
0x76: {  	_ =	shalt  }
0x77: {  	_ =	shalt  }
0x78: {  	_ =	shalt  }
0x79: {  	_ =	shalt  }
0x7a: {  	_ =	shalt  }
0x7b: {  	_ =	shalt  }
0x7c: {  	_ =	shalt  }
0x7d: {  	_ =	shalt  }
0x7e: {  	_ =	shalt  }
0x7f: {  	_ =	shalt  }
0x80: {  	_ =	shalt  }
0x81: {  	_ =	shalt  }
0x82: {  	_ =	shalt  }
0x83: {  	_ =	shalt  }
0x84: {  	_ =	shalt  }
0x85: {  	_ =	shalt  }
0x86: {  	_ =	shalt  }
0x87: {  	_ =	shalt  }
.Lfunc_end0:
.L_simem_size_0:
called_computation_lowered:
.L_overlay_start_0:
0x88: {  	s2 =	sld [smem:$0x3FD9]  }
0x89: {  	s3 =	sld [smem:$0x3FFE];
	_ =	sdelay $0x1  }
0x8a: {  	s1 =	srdreg.scid  }
0x8b: {  	s0 =	sand.u32 $0x1, s1  }
0x8c: {  	s16 =	sshll.u32 s0, $0xA;
	s2 =	sadd.s32 s3, s2  }
0x8d: {  	s2 =	sadd.s32 s2, s16  }
0x8e: {  	[smem:$0x3FB6] =	sst s2  }
0x8f: {  	_ = 	snop  }
0x90: {  	(tm) =	ssettm $0x1  }
0x91: {  	s17 =	sld [smem:$0x3FFB];
	_ =	sdelay $0x3  }
0x92: {  	_ =	strace s17  }
0x93: {  	s2 =	sld [smem:$0x3FFC];
	_ =	sdelay $0x3  }
0x94: {  	_ =	strace s2  }
0x95: {  	s2 =	sld [smem:$0x3FFD];
	_ =	sdelay $0x3  }
0x96: {  	_ =	strace s2  }
0x97: {  	_ =	strace $0x8FFFFFFF  }
0x98: {  	s18 =	sld [smem:$0x3FDB];
	_ =	sdelay $0x1  }
0x99: {  	s19 =	simm.s32 $_scs_section_size  }
0x9a: {  	s4 =	simm.s32 $_size__tile_overlayer_lowered;
	s5 =	simm.s32 $_tile_overlayer_lowered  }
0x9b: {  	s22 =	simm.s32 $0x1BFF;
	s21 =	sshll.u32 s5, $0x1;
	s2 =	sadd.s32 s19, s18  }
0x9c: {  	s6 =	simm.s32 $0x0;
	s20 =	sshll.u32 s4, $0x1;
	s4 =	sadd.s32 s21, s2  }
0x9d: {  	[timem:s6], [sflag:s22] =	dma.local [hbm:s4], s20  }
0x9e: {  	_ =	swait.ge [sflag:s22], s20  }
0x9f: {  	s3 =	ssub.s32 $0x0, s20;
	[sflag:s22] =	ssyncset.done $0x0  }
0xa0: {  	[sflag:s22] =	ssyncadd.s32 s3;
	_ =	sdelay $0x1  }
0xa1: {  	s23 =	simm.s32 $0x1B8B  }
0xa2: {  	_ =	swait.ge [sflag:s23], $0x1  }
0xa3: {  	[sflag:s23] =	ssyncset.done $0x0  }
0xa4: {  	s25 =	simm.s32 $0x1B8E;
	s24 =	sld [smem:$0x3FFE];
	[sflag:s23] =	ssyncadd.s32 $0xFFFFFFFF  }
0xa5: {  	s26 =	simm.s32 $execute0_lowered;
	[smem:$0x3FD2] =	sst s25  }
0xa6: {  	s4 =	sshll.u32 s26, $0x1;
	_ =	strace $0x80000046;
	[dreg:$0x1] =	wrdreg $0xFFFFFFFF  }
0xa7: {  	s28 =	simm.s32 $_size_execute0_lowered;
	s2 =	sadd.s32 s2, s4;
	[dreg:$0x0] =	wrdreg $0x0  }
0xa8: {  	s4 =	sshll.u32 s28, $0x1;
	[dreg:$0x2] =	wrdreg s2  }
0xa9: {  	[dreg:$0x3] =	wrdreg s4  }
0xaa: {  	[dreg:$0x4] =	wrdreg $0xC0  }
0xab: {  	_ =	task [dreg:s6], $0x5FFFF  }
0xac: {  	[dreg:$0x1] =	wrdreg $0xFFFFFFFF  }
0xad: {  	[dreg:$0x0] =	wrdreg $0x60  }
0xae: {  	[dreg:$0x2] =	wrdreg s24  }
0xaf: {  	[dreg:$0x3] =	wrdreg $0x9  }
0xb0: {  	_ =	task.clear_ibuf [dreg:s6], $0x4FFFF;
	_ =	strace $0x90000046  }
0xb1: {  	s29 =	simm.s32 $0x9;
	_ =	strace $0x80000048  }
0xb2: {  	_ =	swait.ge [sflag:s29], $0x1  }
0xb3: {  	[sflag:s29] =	ssyncadd.s32 $0xFFFFFFFF  }
0xb4: {  	_ =	strace $0x90000048  }
0xb5: {  	_ =	sfence  }
0xb6: {  	s30 =	sld [smem:$0x0];
	_ =	sdelay $0x2  }
0xb7: {  	s31 =	sshll.u32 s1, $0xD;
	s1 =	sshrl.u32 s1, $0x2  }
0xb8: {  	s3 =	sand.u32 $0x4000, s31;
	s1 =	sadd.s32 s1, s30  }
0xb9: {  	s0 =	sor.u32 s3, s0;
	s1 =	sshll.u32 s1, $0x11  }
0xba: {  	s0 =	sor.u32 s1, s0  }
0xbb: {  	s0 =	sadd.s32 $0x8F2B, s0  }
0xbc: {  	[sflag:s0] =	ssyncadd.remote.s32 $0x1  }
0xbd: {  	_ =	sfence.sel $0xFFFF  }
0xbe: {  	[dreg:$0x0] =	wrdreg $0xFFFFFFFF;
	(pc) =	sbr.abs _section_cstart, $3  }
0xbf: {  	[dreg:$0x1] =	wrdreg $0xFFFFFFFF  }
0xc0: {  	_ =	task.clear_ibuf [dreg:s6], $0x2FFFF;
	_ =	strace $0x9FFFFFFF  }
0xc1: {  	(tm) =	ssettm $0x7FFFFFFF  }
tec
execute0_lowered:
.L_overlay_start_1:
0x0: {  	(tag) =	ssettag $0x1  }
0x1: {  	s3 =	rddreg [dreg:$0x0]  }
0x2: {  	s1 =	srdreg.scid;
	s0 =	rddreg [dreg:$0x1]  }
0x3: {  	s2 =	simm.s32 $0x0;
	s8 =	simm.s32 $0x0;
	s4 =	sand.u32 $0x1, s1  }
0x4: {  	s1 =	stileid.u32;
	s5 =	smul.u32 $0x27100, s4;
	s6 =	sshll.u32 s4, $0x4  }
0x5: {  	s7 =	smul.u32 $0x2710, s1;
	s4 =	ssub.s32 $0x2, s4;
	s6 =	sor.u32 s1, s6  }
0x6: {  	[smem:$0x7FF] =	sst s2;
	s31 =	sshrl.u32 s4, $0x1;
	s6 =	smul.u32 $0x2710, s6  }
0x7: {  	_ =	strace $0x80000047;
	s5 =	sadd.s32 s7, s5;
	s4 =	ssub.s32 s4, s31  }
0x8: {  	s7 =	simm.s32 $0x1;
	s5 =	sshrl.u32 s5, $0x3;
	s6 =	sshrl.u32 s6, $0x3  }
0x9: {  	s4 =	smax.u32 s4, $0x1;
	s5 =	sadd.s32 s5, s3;
	s3 =	sadd.s32 s6, s3  }
0xa: {  	v0 =	vimm.f32 $0.0e+00;
	v1 =	vimm.f32 $1.000000000e+00;
	s5 =	sadd.s32 $0xC800, s5;
	s6 =	simm.s32 $0x2710;
	s3 =	sadd.s32 $0x16600, s3  }
.LBB2_1:
0xb: {  	s9 =	simm.s32 $0x0  }
.LBB2_2:
0xc: {  	p0 =	sne.s32 s9, $0x9C00  }
.Ltmp0:
0xd: {  	_ = 	snop;
	(pc) =	sbr.rel @p0 .LBB2_2-.Ltmp0, $3  }
0xe: {  	_ =	sdelay $0x1  }
0xf: {  	s10 =	sshra.s32 s9, $0x2  }
0x10: {  	s9 =	sadd.s32 $0x40, s9;
	[tilespmem:s10+$0x0] =	vst v0  }
0x11: {  	s9 =	simm.s32 $0x0  }
.LBB2_4:
0x12: {  	s10 =	sadd.s32 s9, s5  }
0x13: {  	[tilespmem:s6], [sflag:$0x1] =	stream.linear.gather [hbm4b:s10+s2], $0x50, $0x38;
	[tilespmem:$0x2760] =	vst v63  }
0x14: {  	_ =	swait.ge [sflag:s7], $0x50  }
0x15: {  	[sflag:s7] =	ssyncset.done $0x0  }
0x16: {  	[sflag:s7] =	ssyncadd.s32 $0xFFFFFFB0  }
0x17: {  	v2 =	vld [tilespmem:$0x2710];
	_ =	sdelay $0x7  }
0x18: {  	[tilespmem:v2+s2+$0x0] =	vst.idx.add.f32.msk $0xffff, v1  }
0x19: {  	v2 =	vld [tilespmem:$0x2720];
	_ =	sdelay $0x7  }
0x1a: {  	[tilespmem:v2+s2+$0x0] =	vst.idx.add.f32.msk $0xffff, v1  }
0x1b: {  	v2 =	vld [tilespmem:$0x2730];
	_ =	sdelay $0x7  }
0x1c: {  	[tilespmem:v2+s2+$0x0] =	vst.idx.add.f32.msk $0xffff, v1  }
0x1d: {  	v2 =	vld [tilespmem:$0x2740];
	_ =	sdelay $0x7  }
0x1e: {  	[tilespmem:v2+s2+$0x0] =	vst.idx.add.f32.msk $0xffff, v1  }
0x1f: {  	v2 =	vld [tilespmem:$0x2750];
	_ =	sdelay $0x2  }
0x20: {  	p0 =	sne.s32 s9, $0x4D8  }
.Ltmp1:
0x21: {  	_ = 	snop;
	(pc) =	sbr.rel @p0 .LBB2_4-.Ltmp1, $2  }
0x22: {  	_ =	sdelay $0x2  }
0x23: {  	s9 =	sadd.s32 $0xA, s9;
	[tilespmem:v2+s2+$0x0] =	vst.idx.add.f32.msk $0xffff, v1  }
0x24: {  	s8 =	sadd.s32 $0x1, s8  }
0x25: {  	p0 =	sne.s32 s8, s4  }
.Ltmp2:
0x26: {  	_ = 	snop;
	(pc) =	sbr.rel @p0 .LBB2_1-.Ltmp2, $4  }
0x27: {  	[hbm4b:s3+s2] =	stream.linear.scatter [tilespmem:s2], [sflag:$0x1], $0x2710, $0x38;
	[tilespmem:$0x2760] =	vst v63  }
0x28: {  	_ =	swait.ge [sflag:s7], $0x2710  }
0x29: {  	[sflag:s7] =	ssyncset.done $0x0  }
0x2a: {  	[sflag:s7] =	ssyncadd.s32 $0xFFFFD8F0  }
0x2b: {  	_ =	sfence.sel $0x180000  }
0x2c: {  	[bflag:$0x0] =	sbarrier.arrive $0xFFFF  }
0x2d: {  	p0 =	sne.s32 s1, $0x0;
	_ =	strace $0x90000047  }
0x2e: {  	s0 =	sadd.s32 @!p0 $0x100000, s0;
	[bflag:$0x2] =	sbarrier.arrive $0xFFFF  }
0x2f: {  	[sflag:s0] =	ssyncadd.tile.s32 @!p0 $0x1;
	_ =	shalt  }
.Lfunc_end2:
_tile_overlayer_lowered:
.L_overlay_start_2:
0x30: {  	(tag) =	ssettag $0x2  }
0x31: {  	s0 =	rddreg [dreg:$0x0];
	s2 =	stileid.u32  }
0x32: {  	s1 =	rddreg [dreg:$0x1];
	p0 =	sne.s32 s2, $0x0  }
0x33: {  	s3 =	rddreg [dreg:$0x2];
	[bflag:$0x3] =	sbarrier.arrive $0xFFFF;
	s2 =	simm.s32 @!p0 $0x1C01  }
0x34: {  	[timem:s3], [sflag:s2] =	dma.local @!p0 [hbm:s0], s1  }
0x35: {  	s0 =	simm.s32 @!p0 $0x1  }
0x36: {  	_ =	swait.ge @!p0 [sflag:s0], s1  }
0x37: {  	s1 =	ssub.s32 @!p0 $0x0, s1;
	[sflag:s0] =	ssyncset.done @!p0 $0x0  }
0x38: {  	[sflag:s0] =	ssyncadd.s32 @!p0 s1  }
0x39: {  	[bflag:$0x3] =	sbarrier.arrive $0xFFFF  }
0x3a: {  	_ =	shalt  }

// kernel: kernel.13.cloned.1.call-start
scs
__scs_entry_jumppad:
0x0: {  	(pc) =	sbr.rel $0x88, $3  }
0x1: {  	(tag) =	ssettag $0x0;
	lr =	simm.s32 $0x1  }
0x2: {  	[smem:$0x3F8F] =	sst lr;
	_ =	strace $0xD0000000  }
0x3: {  	_ = 	snop  }
0x4: {  	_ = 	snop  }
0x5: {  	_ = 	snop  }
0x6: {  	_ = 	snop  }
0x7: {  	_ = 	snop  }
__scs_overlays_trampoline_lowered:
0x8: {  	[smem:$0x3F9E] =	sst s0  }
0x9: {  	[smem:$0x3F9F] =	sst s1  }
0xa: {  	[smem:$0x3FA0] =	sst s2  }
0xb: {  	[smem:$0x3FA1] =	sst s3  }
0xc: {  	[smem:$0x3FA2] =	sst s4  }
0xd: {  	[smem:$0x3FA3] =	sst s5  }
0xe: {  	[smem:$0x3FA4] =	sst s6  }
0xf: {  	[smem:$0x3FA5] =	sst s7  }
0x10: {  	[smem:$0x3FA6] =	sst s8  }
0x11: {  	[smem:$0x3FA7] =	sst s9;
	s0 =	simm.s32 @!p0 $0x0  }
0x12: {  	s1 =	sld [smem:$0x3F8D];
	s0 =	simm.s32 @p0 $0x1  }
0x13: {  	[smem:$0x3FA8] =	sst s0;
	s0 =	simm.s32 @!p1 $0x0  }
0x14: {  	s2 =	sld [smem:$0x3F8C];
	s0 =	simm.s32 @p1 $0x1  }
0x15: {  	[smem:$0x3FA9] =	sst s0;
	s0 =	simm.s32 @!p2 $0x0  }
0x16: {  	s3 =	sld [smem:$0x3FDB];
	s0 =	simm.s32 @p2 $0x1  }
0x17: {  	s4 =	simm.s32 $0x1BF5;
	[smem:$0x3FAB] =	sst s0  }
0x18: {  	s0 =	sld [smem:$0x3F8E];
	_ =	swait.ge [sflag:s4], $0x0  }
0x19: {  	s7 =	sld [smem:$0x3F8F]  }
0x1a: {  	s8 =	sadd.s32 $0xFFFFE003, lr  }
0x1b: {  	s9 =	sadd.s32 $0xFFFFFEF7, lr;
	s5 =	simm.s32 $0xFFFFFFFF;
	p2 =	slt.u32 s8, $0xFFFFF086  }
0x1c: {  	p1 =	slt.u32 s9, $0xF7A;
	s5 =	simm.s32 @!p2 $0x0  }
0x1d: {  	s5 =	simm.s32 @p1 $0x1;
	p0 =	seq.s32 s7, s2  }
0x1e: {  	s7 =	smul.u32 @!p0 $0xF7A, s2;
	p2 =	seq.s32 @!p0 s5, $0x0  }
0x1f: {  	s9 =	smul.u32 $0xF7A, s1;
	s8 =	simm.s32 @!p0 $0x1BF5;
	p2 =	por !p2, p0  }
0x20: {  	[sflag:s8] =	ssyncset.s32 @!p0 $0xFFFFF086;
	s6 =	sadd.s32 @!p0 s3, s7;
	s7 =	simm.s32 @!p0 $0x108  }
0x21: {  	s3 =	sadd.s32 s3, s9;
	s6 =	sadd.s32 @!p0 $0x88, s6;
	s7 =	simm.s32 @p2 $0x1082  }
0x22: {  	[simem:s7], [sflag:s8] =	dma.local @!p0 [hbm:s6], $0xF7A  }
0x23: {  	s9 =	sor.u32 $0xD0000000, s2;
	s6 =	simm.s32 $0x108;
	_ =	swait.ge @!p0 [sflag:s8], $0x0  }
0x24: {  	s3 =	sadd.s32 $0x88, s3;
	s6 =	simm.s32 @!p1 $0x1082;
	[sflag:s4] =	ssyncset.s32 $0xFFFFF086  }
0x25: {  	[simem:s6], [sflag:s4] =	dma.local [hbm:s3], $0xF7A  }
0x26: {  	[smem:$0x3F8F] =	sst s1;
	(tag) =	ssettag s2;
	_ =	strace s9  }
0x27: {  	s1 =	sld [smem:$0x3F9F]  }
0x28: {  	s2 =	sld [smem:$0x3FA0]  }
0x29: {  	s4 =	sld [smem:$0x3FA2]  }
0x2a: {  	p0 =	seq.s32 s5, $0x0;
	s5 =	sld [smem:$0x3FA3]  }
0x2b: {  	s6 =	sld [smem:$0x3FA4]  }
0x2c: {  	s7 =	sld [smem:$0x3FA5]  }
0x2d: {  	s3 =	simm.s32 $0x108;
	s8 =	sld [smem:$0x3FA6]  }
0x2e: {  	s3 =	simm.s32 @!p0 $0x1082;
	s9 =	sld [smem:$0x3FA7]  }
0x2f: {  	lr =	sadd.s32 s0, s3;
	s0 =	sld [smem:$0x3F9E]  }
0x30: {  	s3 =	sld [smem:$0x3FA1]  }
0x31: {  	[smem:$0x3FAA] =	sst s10  }
0x32: {  	s10 =	sld [smem:$0x3FA8];
	_ =	sdelay $0x3  }
0x33: {  	p0 =	seq.s32 s10, $0x1;
	s10 =	sld [smem:$0x3FAA];
	_ =	sdelay $0x3  }
0x34: {  	[smem:$0x3FAA] =	sst s10  }
0x35: {  	s10 =	sld [smem:$0x3FA9];
	_ =	sdelay $0x3  }
0x36: {  	p1 =	seq.s32 s10, $0x1;
	s10 =	sld [smem:$0x3FAA];
	_ =	sdelay $0x3  }
0x37: {  	[smem:$0x3FAA] =	sst s10  }
0x38: {  	s10 =	sld [smem:$0x3FAB]  }
0x39: {  	_ = 	snop;
	(pc) =	sbr.ind lr, $3  }
0x3a: {  	_ = 	snop  }
0x3b: {  	_ = 	snop  }
0x3c: {  	p2 =	seq.s32 s10, $0x1;
	s10 =	sld [smem:$0x3FAA]  }
0x3d: {  	_ =	shalt  }
0x3e: {  	_ =	shalt  }
0x3f: {  	_ =	shalt  }
0x40: {  	_ =	shalt  }
0x41: {  	_ =	shalt  }
0x42: {  	_ =	shalt  }
0x43: {  	_ =	shalt  }
0x44: {  	_ =	shalt  }
0x45: {  	_ =	shalt  }
0x46: {  	_ =	shalt  }
0x47: {  	_ =	shalt  }
0x48: {  	_ =	shalt  }
0x49: {  	_ =	shalt  }
0x4a: {  	_ =	shalt  }
0x4b: {  	_ =	shalt  }
0x4c: {  	_ =	shalt  }
0x4d: {  	_ =	shalt  }
0x4e: {  	_ =	shalt  }
0x4f: {  	_ =	shalt  }
0x50: {  	_ =	shalt  }
0x51: {  	_ =	shalt  }
0x52: {  	_ =	shalt  }
0x53: {  	_ =	shalt  }
0x54: {  	_ =	shalt  }
0x55: {  	_ =	shalt  }
0x56: {  	_ =	shalt  }
0x57: {  	_ =	shalt  }
0x58: {  	_ =	shalt  }
0x59: {  	_ =	shalt  }
0x5a: {  	_ =	shalt  }
0x5b: {  	_ =	shalt  }
0x5c: {  	_ =	shalt  }
0x5d: {  	_ =	shalt  }
0x5e: {  	_ =	shalt  }
0x5f: {  	_ =	shalt  }
0x60: {  	_ =	shalt  }
0x61: {  	_ =	shalt  }
0x62: {  	_ =	shalt  }
0x63: {  	_ =	shalt  }
0x64: {  	_ =	shalt  }
0x65: {  	_ =	shalt  }
0x66: {  	_ =	shalt  }
0x67: {  	_ =	shalt  }
0x68: {  	_ =	shalt  }
0x69: {  	_ =	shalt  }
0x6a: {  	_ =	shalt  }
0x6b: {  	_ =	shalt  }
0x6c: {  	_ =	shalt  }
0x6d: {  	_ =	shalt  }
0x6e: {  	_ =	shalt  }
0x6f: {  	_ =	shalt  }
0x70: {  	_ =	shalt  }
0x71: {  	_ =	shalt  }
0x72: {  	_ =	shalt  }
0x73: {  	_ =	shalt  }
0x74: {  	_ =	shalt  }
0x75: {  	_ =	shalt  }
0x76: {  	_ =	shalt  }
0x77: {  	_ =	shalt  }
0x78: {  	_ =	shalt  }
0x79: {  	_ =	shalt  }
0x7a: {  	_ =	shalt  }
0x7b: {  	_ =	shalt  }
0x7c: {  	_ =	shalt  }
0x7d: {  	_ =	shalt  }
0x7e: {  	_ =	shalt  }
0x7f: {  	_ =	shalt  }
0x80: {  	_ =	shalt  }
0x81: {  	_ =	shalt  }
0x82: {  	_ =	shalt  }
0x83: {  	_ =	shalt  }
0x84: {  	_ =	shalt  }
0x85: {  	_ =	shalt  }
0x86: {  	_ =	shalt  }
0x87: {  	_ =	shalt  }
.Lfunc_end0:
.L_simem_size_0:
called_computation.1_lowered:
.L_overlay_start_0:
0x88: {  	s2 =	sld [smem:$0x3FD9]  }
0x89: {  	s3 =	sld [smem:$0x3FFE];
	_ =	sdelay $0x1  }
0x8a: {  	s1 =	srdreg.scid  }
0x8b: {  	s0 =	sand.u32 $0x1, s1  }
0x8c: {  	s16 =	sshll.u32 s0, $0xA;
	s2 =	sadd.s32 s3, s2  }
0x8d: {  	s2 =	sadd.s32 s2, s16  }
0x8e: {  	[smem:$0x3FB6] =	sst s2  }
0x8f: {  	_ = 	snop  }
0x90: {  	(tm) =	ssettm $0x1  }
0x91: {  	s17 =	sld [smem:$0x3FFB];
	_ =	sdelay $0x3  }
0x92: {  	_ =	strace s17  }
0x93: {  	s2 =	sld [smem:$0x3FFC];
	_ =	sdelay $0x3  }
0x94: {  	_ =	strace s2  }
0x95: {  	s2 =	sld [smem:$0x3FFD];
	_ =	sdelay $0x3  }
0x96: {  	_ =	strace s2  }
0x97: {  	_ =	strace $0x8FFFFFFF  }
0x98: {  	s18 =	sld [smem:$0x3FDB];
	_ =	sdelay $0x1  }
0x99: {  	s19 =	simm.s32 $_scs_section_size  }
0x9a: {  	s4 =	simm.s32 $_size__tile_overlayer_lowered;
	s5 =	simm.s32 $_tile_overlayer_lowered  }
0x9b: {  	s22 =	simm.s32 $0x1BFF;
	s21 =	sshll.u32 s5, $0x1;
	s2 =	sadd.s32 s19, s18  }
0x9c: {  	s6 =	simm.s32 $0x0;
	s20 =	sshll.u32 s4, $0x1;
	s4 =	sadd.s32 s21, s2  }
0x9d: {  	[timem:s6], [sflag:s22] =	dma.local [hbm:s4], s20  }
0x9e: {  	_ =	swait.ge [sflag:s22], s20  }
0x9f: {  	s3 =	ssub.s32 $0x0, s20;
	[sflag:s22] =	ssyncset.done $0x0  }
0xa0: {  	[sflag:s22] =	ssyncadd.s32 s3;
	_ =	sdelay $0x1  }
0xa1: {  	s23 =	simm.s32 $0x1B8B  }
0xa2: {  	_ =	swait.ge [sflag:s23], $0x1  }
0xa3: {  	[sflag:s23] =	ssyncset.done $0x0  }
0xa4: {  	s25 =	simm.s32 $0x1B8E;
	s24 =	sld [smem:$0x3FFE];
	[sflag:s23] =	ssyncadd.s32 $0xFFFFFFFF  }
0xa5: {  	s26 =	simm.s32 $execute0_lowered;
	[smem:$0x3FD2] =	sst s25  }
0xa6: {  	s4 =	sshll.u32 s26, $0x1;
	_ =	strace $0x80000049;
	[dreg:$0x1] =	wrdreg $0xFFFFFFFF  }
0xa7: {  	s28 =	simm.s32 $_size_execute0_lowered;
	s2 =	sadd.s32 s2, s4;
	[dreg:$0x0] =	wrdreg $0x0  }
0xa8: {  	s4 =	sshll.u32 s28, $0x1;
	[dreg:$0x2] =	wrdreg s2  }
0xa9: {  	[dreg:$0x3] =	wrdreg s4  }
0xaa: {  	[dreg:$0x4] =	wrdreg $0xC0  }
0xab: {  	_ =	task [dreg:s6], $0x5FFFF  }
0xac: {  	[dreg:$0x1] =	wrdreg $0xFFFFFFFF  }
0xad: {  	[dreg:$0x0] =	wrdreg $0x60  }
0xae: {  	[dreg:$0x2] =	wrdreg s24  }
0xaf: {  	[dreg:$0x3] =	wrdreg $0x14A00  }
0xb0: {  	[dreg:$0x4] =	wrdreg $0x9  }
0xb1: {  	_ =	task.clear_ibuf [dreg:s6], $0x5FFFF;
	_ =	strace $0x90000049  }
0xb2: {  	s29 =	simm.s32 $0x9;
	_ =	strace $0x8000004B  }
0xb3: {  	_ =	swait.ge [sflag:s29], $0x1  }
0xb4: {  	[sflag:s29] =	ssyncadd.s32 $0xFFFFFFFF  }
0xb5: {  	_ =	strace $0x9000004B  }
0xb6: {  	_ =	sfence  }
0xb7: {  	s30 =	sld [smem:$0x0];
	_ =	sdelay $0x2  }
0xb8: {  	s31 =	sshll.u32 s1, $0xD;
	s1 =	sshrl.u32 s1, $0x2  }
0xb9: {  	s3 =	sand.u32 $0x4000, s31;
	s1 =	sadd.s32 s1, s30  }
0xba: {  	s0 =	sor.u32 s3, s0;
	s1 =	sshll.u32 s1, $0x11  }
0xbb: {  	s0 =	sor.u32 s1, s0  }
0xbc: {  	s0 =	sadd.s32 $0x8F2B, s0  }
0xbd: {  	[sflag:s0] =	ssyncadd.remote.s32 $0x1  }
0xbe: {  	_ =	sfence.sel $0xFFFF  }
0xbf: {  	[dreg:$0x0] =	wrdreg $0xFFFFFFFF;
	(pc) =	sbr.abs _section_cstart, $3  }
0xc0: {  	[dreg:$0x1] =	wrdreg $0xFFFFFFFF  }
0xc1: {  	_ =	task.clear_ibuf [dreg:s6], $0x2FFFF;
	_ =	strace $0x9FFFFFFF  }
0xc2: {  	(tm) =	ssettm $0x7FFFFFFF  }
0xc3: {  	_ =	shalt  }
tec
execute0_lowered:
.L_overlay_start_1:
0x0: {  	(tag) =	ssettag $0x1  }
0x1: {  	s0 =	srdreg.scid;
	s13 =	stileid.u32  }
0x2: {  	s0 =	sand.u32 $0x1, s0;
	s3 =	smul.u32 $0x2710, s13  }
0x3: {  	s2 =	smul.u32 $0x27100, s0  }
0x4: {  	s4 =	rddreg [dreg:$0x0];
	s1 =	simm.s32 $0x0;
	s7 =	smul.u32 $0x9C400, s0  }
0x5: {  	s15 =	sor.u32 $0x30, s13;
	s5 =	ssub.s32 $0x2, s0;
	s0 =	smul.u32 $0x1400, s13  }
0x6: {  	[smem:$0x7FF] =	sst s1;
	s16 =	sor.u32 $0x40, s13;
	s22 =	smul.u32 $0x1400, s15  }
0x7: {  	s8 =	sadd.s32 $0x2A000, s4;
	s17 =	sor.u32 $0x50, s13;
	s23 =	smul.u32 $0x1400, s16  }
0x8: {  	s12 =	sor.u32 $0x10, s13;
	s18 =	sor.u32 $0x60, s13;
	s24 =	smul.u32 $0x1400, s17  }
0x9: {  	s14 =	sor.u32 $0x20, s13;
	s19 =	sor.u32 $0x70, s13;
	s25 =	smul.u32 $0x1400, s18  }
0xa: {  	p0 =	sgt.u32 s19, $0x7C;
	s9 =	sshrl.u32 s5, $0x1;
	s6 =	sadd.s32 s3, s2  }
0xb: {  	s5 =	ssub.s32 s5, s9;
	s10 =	sadd.s32 s7, s0;
	s2 =	smul.u32 $0x1400, s12  }
0xc: {  	s3 =	smul.u32 $0x1400, s14;
	s21 =	sadd.s32 s7, s22;
	s9 =	sshrl.u32 s10, $0x3  }
0xd: {  	s26 =	sadd.s32 s7, s23;
	s6 =	sshrl.u32 s6, $0x3;
	s9 =	sadd.s32 s8, s9  }
0xe: {  	s11 =	sadd.s32 s7, s2;
	s10 =	sadd.s32 s7, s3;
	s28 =	sadd.s32 s6, s4  }
0xf: {  	s6 =	smul.u32 $0x5000, s15;
	[dreg:$0x3] =	wrdreg s9;
	s9 =	sshrl.u32 s11, $0x3  }
0x10: {  	s10 =	sshrl.u32 s10, $0x3;
	s11 =	sadd.s32 s7, s24;
	s9 =	sadd.s32 s8, s9  }
0x11: {  	s20 =	sadd.s32 s8, s10;
	s10 =	sshrl.u32 s26, $0x3;
	[dreg:$0x4] =	wrdreg s9  }
0x12: {  	s26 =	smul.u32 $0x1400, s19;
	[dreg:$0x5] =	wrdreg s20;
	s9 =	sshrl.u32 s21, $0x3  }
0x13: {  	s10 =	sadd.s32 s8, s10;
	s20 =	sadd.s32 s7, s25;
	s9 =	sadd.s32 s8, s9  }
0x14: {  	[dreg:$0x7] =	wrdreg s10;
	s7 =	sadd.s32 s7, s26;
	s10 =	smul.u32 $0x5000, s13  }
0x15: {  	s21 =	sshrl.u32 s20, $0x3;
	s13 =	smax.u32 s5, $0x1;
	s20 =	smul.u32 $0x5000, s14  }
0x16: {  	[dreg:$0x6] =	wrdreg s9;
	s9 =	sshrl.u32 s11, $0x3;
	s7 =	sshrl.u32 s7, $0x3  }
0x17: {  	s11 =	rddreg [dreg:$0x1];
	s9 =	sadd.s32 s8, s9;
	s7 =	sadd.s32 s8, s7  }
0x18: {  	s0 =	sadd.s32 s0, s11;
	s2 =	sadd.s32 s2, s11;
	[dreg:$0x8] =	wrdreg s9  }
0x19: {  	s3 =	sadd.s32 s3, s11;
	s9 =	sadd.s32 s8, s21;
	[dreg:$0xa] =	wrdreg s7  }
0x1a: {  	s21 =	sshrl.u32 s10, $0x2;
	s10 =	sshrl.u32 s6, $0x2;
	s8 =	sadd.s32 s22, s11  }
0x1b: {  	s22 =	sadd.s32 $0xC800, s28;
	[dreg:$0x9] =	wrdreg s9;
	s9 =	smul.u32 $0x5000, s12  }
0x1c: {  	s12 =	sadd.s32 $0x16600, s4;
	s4 =	sshrl.u32 s20, $0x2;
	s20 =	smul.u32 $0x5000, s18  }
0x1d: {  	s14 =	sadd.s32 s21, s11;
	s21 =	smul.u32 $0x5000, s19;
	_ =	strace $0x8000004A  }
0x1e: {  	[dreg:$0xb] =	wrdreg s13;
	s13 =	smul.u32 $0x5000, s17;
	s17 =	sadd.s32 s10, s11  }
0x1f: {  	s10 =	sadd.s32 s24, s11;
	s24 =	sshrl.u32 s0, $0x3;
	s0 =	simm.s32 $0xA0  }
0x20: {  	s7 =	sshrl.u32 s9, $0x2;
	s9 =	smul.u32 $0x5000, s16;
	s16 =	sadd.s32 s4, s11  }
0x21: {  	s4 =	sshrl.u32 s20, $0x2;
	s30 =	sshrl.u32 s10, $0x3;
	s15 =	sadd.s32 s7, s11  }
0x22: {  	s6 =	sshrl.u32 s13, $0x2;
	s20 =	sadd.s32 s4, s11;
	s7 =	sshrl.u32 s21, $0x2  }
0x23: {  	s13 =	sadd.s32 s25, s11;
	s25 =	sshrl.u32 s2, $0x3;
	s2 =	simm.s32 $0x2  }
0x24: {  	s4 =	simm.s32 $0x1;
	s5 =	sshrl.u32 s9, $0x2;
	s19 =	sadd.s32 s6, s11  }
0x25: {  	s21 =	sadd.s32 s7, s11;
	s9 =	sadd.s32 s23, s11;
	s6 =	sadd.s32 s26, s11  }
0x26: {  	s23 =	sadd.s32 $0x2A00, s28;
	s26 =	sshrl.u32 s3, $0x3;
	s28 =	sshrl.u32 s8, $0x3  }
0x27: {  	s31 =	sshrl.u32 s13, $0x3;
	s3 =	simm.s32 $0x50;
	s18 =	sadd.s32 s5, s11  }
0x28: {  	v0 =	vimm.f32 $0.0e+00;
	s29 =	sshrl.u32 s9, $0x3;
	s8 =	sshrl.u32 @!p0 s6, $0x3;
	s5 =	simm.s32 $0x0  }
.LBB2_1:
0x29: {  	s7 =	simm.s32 $0x100;
	s6 =	simm.s32 $0x0  }
.LBB2_2:
0x2a: {  	p1 =	sne.s32 s7, $0x4F00;
	[tilespmem:s6+$0xD0] =	vst v0;
	s9 =	smov.u32 s7;
	s7 =	sadd.s32 $0x100, s7  }
.Ltmp0:
0x2b: {  	[tilespmem:s6+$0xC0] =	vst v0;
	(pc) =	sbr.rel @p1 .LBB2_2-.Ltmp0, $3  }
0x2c: {  	[tilespmem:s6+$0xA0] =	vst v0  }
0x2d: {  	[tilespmem:s6+$0xB0] =	vst v0;
	_ =	sdelay $0x1  }
0x2e: {  	s6 =	sshra.s32 s9, $0x2  }
0x2f: {  	[tilespmem:s6+$0xD0] =	vst v0  }
0x30: {  	[tilespmem:s6+$0xC0] =	vst v0  }
0x31: {  	[tilespmem:s6+$0xA0] =	vst v0  }
0x32: {  	[tilespmem:s6+$0xB0] =	vst v0  }
0x33: {  	[spmem:s14] =	stream.linear.scatter [tilespmem:s0], [sflag:$0x2], $0x1400, $0x38;
	[tilespmem:$0xB0E0] =	vst v63  }
0x34: {  	_ =	swait.ge [sflag:s2], $0x1400  }
0x35: {  	[sflag:s2] =	ssyncset.done $0x0  }
0x36: {  	[sflag:s2] =	ssyncadd.s32 $0xFFFFEC00  }
0x37: {  	[spmem:s15] =	stream.linear.scatter [tilespmem:s0], [sflag:$0x2], $0x1400, $0x38;
	[tilespmem:$0xB0E0] =	vst v63  }
0x38: {  	_ =	swait.ge [sflag:s2], $0x1400  }
0x39: {  	[sflag:s2] =	ssyncset.done $0x0  }
0x3a: {  	[sflag:s2] =	ssyncadd.s32 $0xFFFFEC00  }
0x3b: {  	[spmem:s16] =	stream.linear.scatter [tilespmem:s0], [sflag:$0x2], $0x1400, $0x38;
	[tilespmem:$0xB0E0] =	vst v63  }
0x3c: {  	_ =	swait.ge [sflag:s2], $0x1400  }
0x3d: {  	[sflag:s2] =	ssyncset.done $0x0  }
0x3e: {  	[sflag:s2] =	ssyncadd.s32 $0xFFFFEC00  }
0x3f: {  	[spmem:s17] =	stream.linear.scatter [tilespmem:s0], [sflag:$0x2], $0x1400, $0x38;
	[tilespmem:$0xB0E0] =	vst v63  }
0x40: {  	_ =	swait.ge [sflag:s2], $0x1400  }
0x41: {  	[sflag:s2] =	ssyncset.done $0x0  }
0x42: {  	[sflag:s2] =	ssyncadd.s32 $0xFFFFEC00  }
0x43: {  	[spmem:s18] =	stream.linear.scatter [tilespmem:s0], [sflag:$0x2], $0x1400, $0x38;
	[tilespmem:$0xB0E0] =	vst v63  }
0x44: {  	_ =	swait.ge [sflag:s2], $0x1400  }
0x45: {  	[sflag:s2] =	ssyncset.done $0x0  }
0x46: {  	[sflag:s2] =	ssyncadd.s32 $0xFFFFEC00  }
0x47: {  	[spmem:s19] =	stream.linear.scatter [tilespmem:s0], [sflag:$0x2], $0x1400, $0x38;
	[tilespmem:$0xB0E0] =	vst v63  }
0x48: {  	_ =	swait.ge [sflag:s2], $0x1400  }
0x49: {  	[sflag:s2] =	ssyncset.done $0x0  }
0x4a: {  	[sflag:s2] =	ssyncadd.s32 $0xFFFFEC00  }
0x4b: {  	[spmem:s20] =	stream.linear.scatter [tilespmem:s0], [sflag:$0x2], $0x1400, $0x38;
	[tilespmem:$0xB0E0] =	vst v63  }
0x4c: {  	_ =	swait.ge [sflag:s2], $0x1400  }
0x4d: {  	[sflag:s2] =	ssyncset.done $0x0  }
0x4e: {  	s6 =	simm.s32 @!p0 $0xA0;
	[sflag:s2] =	ssyncadd.s32 $0xFFFFEC00  }
0x4f: {  	[spmem:s21] =	stream.linear.scatter @!p0 [tilespmem:s6], [sflag:$0x2], $0x1400, $0x38;
	[tilespmem:$0xB0E0] =	vst v63  }
0x50: {  	s6 =	simm.s32 @!p0 $0x2  }
0x51: {  	_ =	swait.ge @!p0 [sflag:s6], $0x1400  }
0x52: {  	[sflag:s6] =	ssyncset.done @!p0 $0x0  }
0x53: {  	[sflag:s6] =	ssyncadd.s32 @!p0 $0xFFFFEC00  }
0x54: {  	s10 =	sadd.s32 $0x0, s23;
	[bflag:$0x0] =	sbarrier.arrive $0xFFFF  }
0x55: {  	[tilespmem:s1], [sflag:$0x2] =	stream.linear.gather [hbm4b:s10+s1], $0x50, $0x38;
	[tilespmem:$0xB0E0] =	vst v63  }
0x56: {  	_ =	swait.ge [sflag:s2], $0x50  }
0x57: {  	[sflag:s2] =	ssyncset.done $0x0  }
0x58: {  	s13 =	sadd.s32 $0x0, s22;
	[sflag:s2] =	ssyncadd.s32 $0xFFFFFFB0  }
0x59: {  	[tilespmem:s3], [sflag:$0x2] =	stream.linear.gather [hbm4b:s13+s1], $0x50, $0x38;
	[tilespmem:$0xB0E0] =	vst v63  }
0x5a: {  	_ =	swait.ge [sflag:s2], $0x50  }
0x5b: {  	[sflag:s2] =	ssyncset.done $0x0  }
0x5c: {  	[sflag:s2] =	ssyncadd.s32 $0xFFFFFFB0  }
0x5d: {  	[tilespmem:s0], [sflag:$0x1] =	stream.indirect.gather [hbm4b:s12+s3], $0x40, s1, s3, $0xb8;
	[tilespmem:$0xB0E0] =	vst v63  }
0x5e: {  	_ =	swait.ge [sflag:s4], $0x1400  }
0x5f: {  	[sflag:s4] =	ssyncset.done $0x0  }
0x60: {  	[sflag:s4] =	ssyncadd.s32 $0xFFFFEC00  }
0x61: {  	[spmem:s11] =	stream.indirect.scatter.add.f32 [tilespmem:s0], [sflag:$0x2], $0x40, s3, s3, $0xb8;
	[tilespmem:$0xB0E0] =	vst v63  }
0x62: {  	_ =	swait.ge [sflag:s2], $0x1400  }
0x63: {  	s7 =	simm.s32 $0x14;
	s6 =	simm.s32 $0xA;
	[sflag:s2] =	ssyncset.done $0x0  }
.LBB2_4:
0x64: {  	s9 =	sadd.s32 s6, s23  }
0x65: {  	[sflag:s2] =	ssyncadd.s32 $0xFFFFEC00;
	s10 =	smov.u32 s7;
	s13 =	sadd.s32 $0xA, s7  }
0x66: {  	[tilespmem:s1], [sflag:$0x2] =	stream.linear.gather [hbm4b:s9+s1], $0x50, $0x38;
	[tilespmem:$0xB0E0] =	vst v63  }
0x67: {  	p1 =	sne.s32 s7, $0x4D8;
	_ =	swait.ge [sflag:s2], $0x50  }
0x68: {  	[sflag:s2] =	ssyncset.done $0x0  }
0x69: {  	s7 =	sadd.s32 s6, s22;
	s6 =	smov.u32 s10;
	[sflag:s2] =	ssyncadd.s32 $0xFFFFFFB0  }
0x6a: {  	[tilespmem:s3], [sflag:$0x2] =	stream.linear.gather [hbm4b:s7+s1], $0x50, $0x38;
	[tilespmem:$0xB0E0] =	vst v63  }
0x6b: {  	_ =	swait.ge [sflag:s2], $0x50  }
0x6c: {  	[sflag:s2] =	ssyncset.done $0x0  }
0x6d: {  	[sflag:s2] =	ssyncadd.s32 $0xFFFFFFB0  }
0x6e: {  	[tilespmem:s0], [sflag:$0x1] =	stream.indirect.gather [hbm4b:s12+s3], $0x40, s1, s3, $0xb8;
	[tilespmem:$0xB0E0] =	vst v63  }
0x6f: {  	_ =	swait.ge [sflag:s4], $0x1400  }
.Ltmp1:
0x70: {  	[sflag:s4] =	ssyncset.done $0x0;
	(pc) =	sbr.rel @p1 .LBB2_4-.Ltmp1, $4  }
0x71: {  	[sflag:s4] =	ssyncadd.s32 $0xFFFFEC00  }
0x72: {  	[spmem:s11] =	stream.indirect.scatter.add.f32 [tilespmem:s0], [sflag:$0x2], $0x40, s3, s3, $0xb8;
	[tilespmem:$0xB0E0] =	vst v63  }
0x73: {  	_ =	swait.ge [sflag:s2], $0x1400  }
0x74: {  	s7 =	smov.u32 s13;
	[sflag:s2] =	ssyncset.done $0x0  }
0x75: {  	s7 =	sadd.s32 s6, s23;
	[sflag:s2] =	ssyncadd.s32 $0xFFFFEC00  }
0x76: {  	[tilespmem:s1], [sflag:$0x2] =	stream.linear.gather [hbm4b:s7+s1], $0x50, $0x38;
	[tilespmem:$0xB0E0] =	vst v63  }
0x77: {  	_ =	swait.ge [sflag:s2], $0x50  }
0x78: {  	[sflag:s2] =	ssyncset.done $0x0  }
0x79: {  	s7 =	sadd.s32 s6, s22;
	[sflag:s2] =	ssyncadd.s32 $0xFFFFFFB0  }
0x7a: {  	[tilespmem:s3], [sflag:$0x2] =	stream.linear.gather [hbm4b:s7+s1], $0x50, $0x38;
	[tilespmem:$0xB0E0] =	vst v63  }
0x7b: {  	_ =	swait.ge [sflag:s2], $0x50  }
0x7c: {  	[sflag:s2] =	ssyncset.done $0x0  }
0x7d: {  	[sflag:s2] =	ssyncadd.s32 $0xFFFFFFB0  }
0x7e: {  	[tilespmem:s0], [sflag:$0x1] =	stream.indirect.gather [hbm4b:s12+s3], $0x40, s1, s3, $0xb8;
	[tilespmem:$0xB0E0] =	vst v63  }
0x7f: {  	_ =	swait.ge [sflag:s4], $0x1400  }
0x80: {  	[sflag:s4] =	ssyncset.done $0x0  }
0x81: {  	[sflag:s4] =	ssyncadd.s32 $0xFFFFEC00  }
0x82: {  	[spmem:s11] =	stream.indirect.scatter.add.f32 [tilespmem:s0], [sflag:$0x2], $0x40, s3, s3, $0xb8;
	[tilespmem:$0xB0E0] =	vst v63  }
0x83: {  	_ =	swait.ge [sflag:s2], $0x1400  }
0x84: {  	[sflag:s2] =	ssyncset.done $0x0  }
0x85: {  	s9 =	stileid.u32;
	[sflag:s2] =	ssyncadd.s32 $0xFFFFEC00  }
0x86: {  	s6 =	sshll.u32 s9, $0x6;
	[bflag:$0x0] =	sbarrier.arrive $0xFFFF  }
0x87: {  	s6 =	sor.u32 $0x1C02, s6;
	s10 =	rddreg [dreg:$0x3]  }
0x88: {  	[hbm:s10], [sflag:s6] =	dma.local [spmem:s24], $0x280  }
0x89: {  	_ =	swait.ge [sflag:s2], $0x280  }
0x8a: {  	[sflag:s2] =	ssyncset.done $0x0  }
0x8b: {  	s13 =	rddreg [dreg:$0x4];
	[sflag:s2] =	ssyncadd.s32 $0xFFFFFD80  }
0x8c: {  	[hbm:s13], [sflag:s6] =	dma.local [spmem:s25], $0x280  }
0x8d: {  	_ =	swait.ge [sflag:s2], $0x280  }
0x8e: {  	[sflag:s2] =	ssyncset.done $0x0  }
0x8f: {  	s9 =	rddreg [dreg:$0x5];
	[sflag:s2] =	ssyncadd.s32 $0xFFFFFD80  }
0x90: {  	[hbm:s9], [sflag:s6] =	dma.local [spmem:s26], $0x280  }
0x91: {  	_ =	swait.ge [sflag:s2], $0x280  }
0x92: {  	[sflag:s2] =	ssyncset.done $0x0  }
0x93: {  	s10 =	rddreg [dreg:$0x6];
	[sflag:s2] =	ssyncadd.s32 $0xFFFFFD80  }
0x94: {  	[hbm:s10], [sflag:s6] =	dma.local [spmem:s28], $0x280  }
0x95: {  	_ =	swait.ge [sflag:s2], $0x280  }
0x96: {  	[sflag:s2] =	ssyncset.done $0x0  }
0x97: {  	s13 =	rddreg [dreg:$0x7];
	[sflag:s2] =	ssyncadd.s32 $0xFFFFFD80  }
0x98: {  	[hbm:s13], [sflag:s6] =	dma.local [spmem:s29], $0x280  }
0x99: {  	_ =	swait.ge [sflag:s2], $0x280  }
0x9a: {  	[sflag:s2] =	ssyncset.done $0x0  }
0x9b: {  	s9 =	rddreg [dreg:$0x8];
	[sflag:s2] =	ssyncadd.s32 $0xFFFFFD80  }
0x9c: {  	[hbm:s9], [sflag:s6] =	dma.local [spmem:s30], $0x280  }
0x9d: {  	_ =	swait.ge [sflag:s2], $0x280  }
0x9e: {  	[sflag:s2] =	ssyncset.done $0x0  }
0x9f: {  	s10 =	rddreg [dreg:$0x9];
	[sflag:s2] =	ssyncadd.s32 $0xFFFFFD80  }
0xa0: {  	[hbm:s10], [sflag:s6] =	dma.local [spmem:s31], $0x280  }
0xa1: {  	_ =	swait.ge [sflag:s2], $0x280  }
0xa2: {  	[sflag:s2] =	ssyncset.done $0x0  }
0xa3: {  	s7 =	rddreg [dreg:$0xa];
	[sflag:s2] =	ssyncadd.s32 $0xFFFFFD80  }
0xa4: {  	[hbm:s7], [sflag:s6] =	dma.local @!p0 [spmem:s8], $0x280  }
0xa5: {  	s6 =	simm.s32 @!p0 $0x2  }
0xa6: {  	_ =	swait.ge @!p0 [sflag:s6], $0x280  }
0xa7: {  	s5 =	sadd.s32 $0x1, s5;
	s13 =	rddreg [dreg:$0xb]  }
0xa8: {  	p1 =	sne.s32 s5, s13  }
.Ltmp2:
0xa9: {  	_ = 	snop;
	(pc) =	sbr.rel @p1 .LBB2_1-.Ltmp2, $3  }
0xaa: {  	_ =	sdelay $0x1  }
0xab: {  	[sflag:s6] =	ssyncset.done @!p0 $0x0  }
0xac: {  	[sflag:s6] =	ssyncadd.s32 @!p0 $0xFFFFFD80  }
0xad: {  	_ =	sfence.sel $0x180000  }
0xae: {  	[bflag:$0x0] =	sbarrier.arrive $0xFFFF  }
0xaf: {  	_ =	strace $0x9000004A  }
0xb0: {  	s0 =	stileid.u32;
	[bflag:$0x2] =	sbarrier.arrive $0xFFFF  }
0xb1: {  	p0 =	sne.s32 s0, $0x0;
	s0 =	rddreg [dreg:$0x2]  }
0xb2: {  	s0 =	sadd.s32 @!p0 $0x100000, s0  }
0xb3: {  	[sflag:s0] =	ssyncadd.tile.s32 @!p0 $0x1;
	_ =	shalt  }
.Lfunc_end2:
_tile_overlayer_lowered:
.L_overlay_start_2:
0xb4: {  	(tag) =	ssettag $0x2  }
0xb5: {  	s0 =	rddreg [dreg:$0x0];
	s2 =	stileid.u32  }
0xb6: {  	s1 =	rddreg [dreg:$0x1];
	p0 =	sne.s32 s2, $0x0  }
0xb7: {  	s3 =	rddreg [dreg:$0x2];
	[bflag:$0x3] =	sbarrier.arrive $0xFFFF;
	s2 =	simm.s32 @!p0 $0x1C02  }
0xb8: {  	[timem:s3], [sflag:s2] =	dma.local @!p0 [hbm:s0], s1  }
0xb9: {  	s0 =	simm.s32 @!p0 $0x2  }
0xba: {  	_ =	swait.ge @!p0 [sflag:s0], s1  }
0xbb: {  	s1 =	ssub.s32 @!p0 $0x0, s1;
	[sflag:s0] =	ssyncset.done @!p0 $0x0  }
0xbc: {  	[sflag:s0] =	ssyncadd.s32 @!p0 s1  }
0xbd: {  	[bflag:$0x3] =	sbarrier.arrive $0xFFFF  }
0xbe: {  	_ =	shalt  }

// kernel: kernel.16.cloned.1.call-start
scs
__scs_entry_jumppad:
0x0: {  	(pc) =	sbr.rel $0x88, $3  }
0x1: {  	(tag) =	ssettag $0x0;
	lr =	simm.s32 $0x1  }
0x2: {  	[smem:$0x3F8F] =	sst lr;
	_ =	strace $0xD0000000  }
0x3: {  	_ = 	snop  }
0x4: {  	_ = 	snop  }
0x5: {  	_ = 	snop  }
0x6: {  	_ = 	snop  }
0x7: {  	_ = 	snop  }
__scs_overlays_trampoline_lowered:
0x8: {  	[smem:$0x3F9E] =	sst s0  }
0x9: {  	[smem:$0x3F9F] =	sst s1  }
0xa: {  	[smem:$0x3FA0] =	sst s2  }
0xb: {  	[smem:$0x3FA1] =	sst s3  }
0xc: {  	[smem:$0x3FA2] =	sst s4  }
0xd: {  	[smem:$0x3FA3] =	sst s5  }
0xe: {  	[smem:$0x3FA4] =	sst s6  }
0xf: {  	[smem:$0x3FA5] =	sst s7  }
0x10: {  	[smem:$0x3FA6] =	sst s8  }
0x11: {  	[smem:$0x3FA7] =	sst s9;
	s0 =	simm.s32 @!p0 $0x0  }
0x12: {  	s1 =	sld [smem:$0x3F8D];
	s0 =	simm.s32 @p0 $0x1  }
0x13: {  	[smem:$0x3FA8] =	sst s0;
	s0 =	simm.s32 @!p1 $0x0  }
0x14: {  	s2 =	sld [smem:$0x3F8C];
	s0 =	simm.s32 @p1 $0x1  }
0x15: {  	[smem:$0x3FA9] =	sst s0;
	s0 =	simm.s32 @!p2 $0x0  }
0x16: {  	s3 =	sld [smem:$0x3FDB];
	s0 =	simm.s32 @p2 $0x1  }
0x17: {  	s4 =	simm.s32 $0x1BF5;
	[smem:$0x3FAB] =	sst s0  }
0x18: {  	s0 =	sld [smem:$0x3F8E];
	_ =	swait.ge [sflag:s4], $0x0  }
0x19: {  	s7 =	sld [smem:$0x3F8F]  }
0x1a: {  	s8 =	sadd.s32 $0xFFFFE003, lr  }
0x1b: {  	s9 =	sadd.s32 $0xFFFFFEF7, lr;
	s5 =	simm.s32 $0xFFFFFFFF;
	p2 =	slt.u32 s8, $0xFFFFF086  }
0x1c: {  	p1 =	slt.u32 s9, $0xF7A;
	s5 =	simm.s32 @!p2 $0x0  }
0x1d: {  	s5 =	simm.s32 @p1 $0x1;
	p0 =	seq.s32 s7, s2  }
0x1e: {  	s7 =	smul.u32 @!p0 $0xF7A, s2;
	p2 =	seq.s32 @!p0 s5, $0x0  }
0x1f: {  	s9 =	smul.u32 $0xF7A, s1;
	s8 =	simm.s32 @!p0 $0x1BF5;
	p2 =	por !p2, p0  }
0x20: {  	[sflag:s8] =	ssyncset.s32 @!p0 $0xFFFFF086;
	s6 =	sadd.s32 @!p0 s3, s7;
	s7 =	simm.s32 @!p0 $0x108  }
0x21: {  	s3 =	sadd.s32 s3, s9;
	s6 =	sadd.s32 @!p0 $0x88, s6;
	s7 =	simm.s32 @p2 $0x1082  }
0x22: {  	[simem:s7], [sflag:s8] =	dma.local @!p0 [hbm:s6], $0xF7A  }
0x23: {  	s9 =	sor.u32 $0xD0000000, s2;
	s6 =	simm.s32 $0x108;
	_ =	swait.ge @!p0 [sflag:s8], $0x0  }
0x24: {  	s3 =	sadd.s32 $0x88, s3;
	s6 =	simm.s32 @!p1 $0x1082;
	[sflag:s4] =	ssyncset.s32 $0xFFFFF086  }
0x25: {  	[simem:s6], [sflag:s4] =	dma.local [hbm:s3], $0xF7A  }
0x26: {  	[smem:$0x3F8F] =	sst s1;
	(tag) =	ssettag s2;
	_ =	strace s9  }
0x27: {  	s1 =	sld [smem:$0x3F9F]  }
0x28: {  	s2 =	sld [smem:$0x3FA0]  }
0x29: {  	s4 =	sld [smem:$0x3FA2]  }
0x2a: {  	p0 =	seq.s32 s5, $0x0;
	s5 =	sld [smem:$0x3FA3]  }
0x2b: {  	s6 =	sld [smem:$0x3FA4]  }
0x2c: {  	s7 =	sld [smem:$0x3FA5]  }
0x2d: {  	s3 =	simm.s32 $0x108;
	s8 =	sld [smem:$0x3FA6]  }
0x2e: {  	s3 =	simm.s32 @!p0 $0x1082;
	s9 =	sld [smem:$0x3FA7]  }
0x2f: {  	lr =	sadd.s32 s0, s3;
	s0 =	sld [smem:$0x3F9E]  }
0x30: {  	s3 =	sld [smem:$0x3FA1]  }
0x31: {  	[smem:$0x3FAA] =	sst s10  }
0x32: {  	s10 =	sld [smem:$0x3FA8];
	_ =	sdelay $0x3  }
0x33: {  	p0 =	seq.s32 s10, $0x1;
	s10 =	sld [smem:$0x3FAA];
	_ =	sdelay $0x3  }
0x34: {  	[smem:$0x3FAA] =	sst s10  }
0x35: {  	s10 =	sld [smem:$0x3FA9];
	_ =	sdelay $0x3  }
0x36: {  	p1 =	seq.s32 s10, $0x1;
	s10 =	sld [smem:$0x3FAA];
	_ =	sdelay $0x3  }
0x37: {  	[smem:$0x3FAA] =	sst s10  }
0x38: {  	s10 =	sld [smem:$0x3FAB]  }
0x39: {  	_ = 	snop;
	(pc) =	sbr.ind lr, $3  }
0x3a: {  	_ = 	snop  }
0x3b: {  	_ = 	snop  }
0x3c: {  	p2 =	seq.s32 s10, $0x1;
	s10 =	sld [smem:$0x3FAA]  }
0x3d: {  	_ =	shalt  }
0x3e: {  	_ =	shalt  }
0x3f: {  	_ =	shalt  }
0x40: {  	_ =	shalt  }
0x41: {  	_ =	shalt  }
0x42: {  	_ =	shalt  }
0x43: {  	_ =	shalt  }
0x44: {  	_ =	shalt  }
0x45: {  	_ =	shalt  }
0x46: {  	_ =	shalt  }
0x47: {  	_ =	shalt  }
0x48: {  	_ =	shalt  }
0x49: {  	_ =	shalt  }
0x4a: {  	_ =	shalt  }
0x4b: {  	_ =	shalt  }
0x4c: {  	_ =	shalt  }
0x4d: {  	_ =	shalt  }
0x4e: {  	_ =	shalt  }
0x4f: {  	_ =	shalt  }
0x50: {  	_ =	shalt  }
0x51: {  	_ =	shalt  }
0x52: {  	_ =	shalt  }
0x53: {  	_ =	shalt  }
0x54: {  	_ =	shalt  }
0x55: {  	_ =	shalt  }
0x56: {  	_ =	shalt  }
0x57: {  	_ =	shalt  }
0x58: {  	_ =	shalt  }
0x59: {  	_ =	shalt  }
0x5a: {  	_ =	shalt  }
0x5b: {  	_ =	shalt  }
0x5c: {  	_ =	shalt  }
0x5d: {  	_ =	shalt  }
0x5e: {  	_ =	shalt  }
0x5f: {  	_ =	shalt  }
0x60: {  	_ =	shalt  }
0x61: {  	_ =	shalt  }
0x62: {  	_ =	shalt  }
0x63: {  	_ =	shalt  }
0x64: {  	_ =	shalt  }
0x65: {  	_ =	shalt  }
0x66: {  	_ =	shalt  }
0x67: {  	_ =	shalt  }
0x68: {  	_ =	shalt  }
0x69: {  	_ =	shalt  }
0x6a: {  	_ =	shalt  }
0x6b: {  	_ =	shalt  }
0x6c: {  	_ =	shalt  }
0x6d: {  	_ =	shalt  }
0x6e: {  	_ =	shalt  }
0x6f: {  	_ =	shalt  }
0x70: {  	_ =	shalt  }
0x71: {  	_ =	shalt  }
0x72: {  	_ =	shalt  }
0x73: {  	_ =	shalt  }
0x74: {  	_ =	shalt  }
0x75: {  	_ =	shalt  }
0x76: {  	_ =	shalt  }
0x77: {  	_ =	shalt  }
0x78: {  	_ =	shalt  }
0x79: {  	_ =	shalt  }
0x7a: {  	_ =	shalt  }
0x7b: {  	_ =	shalt  }
0x7c: {  	_ =	shalt  }
0x7d: {  	_ =	shalt  }
0x7e: {  	_ =	shalt  }
0x7f: {  	_ =	shalt  }
0x80: {  	_ =	shalt  }
0x81: {  	_ =	shalt  }
0x82: {  	_ =	shalt  }
0x83: {  	_ =	shalt  }
0x84: {  	_ =	shalt  }
0x85: {  	_ =	shalt  }
0x86: {  	_ =	shalt  }
0x87: {  	_ =	shalt  }
.Lfunc_end0:
.L_simem_size_0:
called_computation.2_lowered:
.L_overlay_start_0:
0x88: {  	s2 =	sld [smem:$0x3FD9]  }
0x89: {  	s3 =	sld [smem:$0x3FFE];
	_ =	sdelay $0x1  }
0x8a: {  	s1 =	srdreg.scid  }
0x8b: {  	s0 =	sand.u32 $0x1, s1  }
0x8c: {  	s16 =	sshll.u32 s0, $0xA;
	s2 =	sadd.s32 s3, s2  }
0x8d: {  	s2 =	sadd.s32 s2, s16  }
0x8e: {  	[smem:$0x3FB6] =	sst s2  }
0x8f: {  	_ = 	snop  }
0x90: {  	(tm) =	ssettm $0x1  }
0x91: {  	s17 =	sld [smem:$0x3FFB];
	_ =	sdelay $0x3  }
0x92: {  	_ =	strace s17  }
0x93: {  	s2 =	sld [smem:$0x3FFC];
	_ =	sdelay $0x3  }
0x94: {  	_ =	strace s2  }
0x95: {  	s2 =	sld [smem:$0x3FFD];
	_ =	sdelay $0x3  }
0x96: {  	_ =	strace s2  }
0x97: {  	_ =	strace $0x8FFFFFFF  }
0x98: {  	s18 =	sld [smem:$0x3FDB];
	_ =	sdelay $0x1  }
0x99: {  	s19 =	simm.s32 $_scs_section_size  }
0x9a: {  	s4 =	simm.s32 $_size__tile_overlayer_lowered;
	s5 =	simm.s32 $_tile_overlayer_lowered  }
0x9b: {  	s22 =	simm.s32 $0x1BFF;
	s21 =	sshll.u32 s5, $0x1;
	s2 =	sadd.s32 s19, s18  }
0x9c: {  	s6 =	simm.s32 $0x0;
	s20 =	sshll.u32 s4, $0x1;
	s4 =	sadd.s32 s21, s2  }
0x9d: {  	[timem:s6], [sflag:s22] =	dma.local [hbm:s4], s20  }
0x9e: {  	_ =	swait.ge [sflag:s22], s20  }
0x9f: {  	s3 =	ssub.s32 $0x0, s20;
	[sflag:s22] =	ssyncset.done $0x0  }
0xa0: {  	[sflag:s22] =	ssyncadd.s32 s3;
	_ =	sdelay $0x1  }
0xa1: {  	s23 =	simm.s32 $0x1B8B  }
0xa2: {  	_ =	swait.ge [sflag:s23], $0x1  }
0xa3: {  	[sflag:s23] =	ssyncset.done $0x0  }
0xa4: {  	s25 =	simm.s32 $0x1B8E;
	s24 =	sld [smem:$0x3FFE];
	[sflag:s23] =	ssyncadd.s32 $0xFFFFFFFF  }
0xa5: {  	s26 =	simm.s32 $execute0_lowered;
	[smem:$0x3FD2] =	sst s25  }
0xa6: {  	s4 =	sshll.u32 s26, $0x1;
	_ =	strace $0x8000004C;
	[dreg:$0x1] =	wrdreg $0xFFFFFFFF  }
0xa7: {  	s28 =	simm.s32 $_size_execute0_lowered;
	s2 =	sadd.s32 s2, s4;
	[dreg:$0x0] =	wrdreg $0x0  }
0xa8: {  	s4 =	sshll.u32 s28, $0x1;
	[dreg:$0x2] =	wrdreg s2  }
0xa9: {  	[dreg:$0x3] =	wrdreg s4  }
0xaa: {  	[dreg:$0x4] =	wrdreg $0xC0  }
0xab: {  	_ =	task [dreg:s6], $0x5FFFF  }
0xac: {  	[dreg:$0x1] =	wrdreg $0xFFFFFFFF  }
0xad: {  	[dreg:$0x0] =	wrdreg $0x60  }
0xae: {  	[dreg:$0x2] =	wrdreg s24  }
0xaf: {  	[dreg:$0x3] =	wrdreg $0x14A00  }
0xb0: {  	[dreg:$0x4] =	wrdreg $0x9  }
0xb1: {  	_ =	task.clear_ibuf [dreg:s6], $0x5FFFF;
	_ =	strace $0x9000004C  }
0xb2: {  	s29 =	simm.s32 $0x9;
	_ =	strace $0x8000004E  }
0xb3: {  	_ =	swait.ge [sflag:s29], $0x1  }
0xb4: {  	[sflag:s29] =	ssyncadd.s32 $0xFFFFFFFF  }
0xb5: {  	_ =	strace $0x9000004E  }
0xb6: {  	_ =	sfence  }
0xb7: {  	s30 =	sld [smem:$0x0];
	_ =	sdelay $0x2  }
0xb8: {  	s31 =	sshll.u32 s1, $0xD;
	s1 =	sshrl.u32 s1, $0x2  }
0xb9: {  	s3 =	sand.u32 $0x4000, s31;
	s1 =	sadd.s32 s1, s30  }
0xba: {  	s0 =	sor.u32 s3, s0;
	s1 =	sshll.u32 s1, $0x11  }
0xbb: {  	s0 =	sor.u32 s1, s0  }
0xbc: {  	s0 =	sadd.s32 $0x8F2B, s0  }
0xbd: {  	[sflag:s0] =	ssyncadd.remote.s32 $0x1  }
0xbe: {  	_ =	sfence.sel $0xFFFF  }
0xbf: {  	[dreg:$0x0] =	wrdreg $0xFFFFFFFF;
	(pc) =	sbr.abs _section_cstart, $3  }
0xc0: {  	[dreg:$0x1] =	wrdreg $0xFFFFFFFF  }
0xc1: {  	_ =	task.clear_ibuf [dreg:s6], $0x2FFFF;
	_ =	strace $0x9FFFFFFF  }
0xc2: {  	(tm) =	ssettm $0x7FFFFFFF  }
0xc3: {  	_ =	shalt  }
tec
execute0_lowered:
.L_overlay_start_1:
0x0: {  	(tag) =	ssettag $0x1  }
0x1: {  	s0 =	srdreg.scid;
	s13 =	stileid.u32  }
0x2: {  	s0 =	sand.u32 $0x1, s0;
	s3 =	smul.u32 $0x2710, s13  }
0x3: {  	s2 =	smul.u32 $0x27100, s0  }
0x4: {  	s4 =	rddreg [dreg:$0x0];
	s1 =	simm.s32 $0x0;
	s7 =	smul.u32 $0x9C400, s0  }
0x5: {  	s15 =	sor.u32 $0x30, s13;
	s5 =	ssub.s32 $0x2, s0;
	s0 =	smul.u32 $0x1400, s13  }
0x6: {  	[smem:$0x7FF] =	sst s1;
	s16 =	sor.u32 $0x40, s13;
	s22 =	smul.u32 $0x1400, s15  }
0x7: {  	s8 =	sadd.s32 $0x2A000, s4;
	s17 =	sor.u32 $0x50, s13;
	s23 =	smul.u32 $0x1400, s16  }
0x8: {  	s12 =	sor.u32 $0x10, s13;
	s18 =	sor.u32 $0x60, s13;
	s24 =	smul.u32 $0x1400, s17  }
0x9: {  	s14 =	sor.u32 $0x20, s13;
	s19 =	sor.u32 $0x70, s13;
	s25 =	smul.u32 $0x1400, s18  }
0xa: {  	p0 =	sgt.u32 s19, $0x7C;
	s9 =	sshrl.u32 s5, $0x1;
	s6 =	sadd.s32 s3, s2  }
0xb: {  	s5 =	ssub.s32 s5, s9;
	s10 =	sadd.s32 s7, s0;
	s2 =	smul.u32 $0x1400, s12  }
0xc: {  	s3 =	smul.u32 $0x1400, s14;
	s21 =	sadd.s32 s7, s22;
	s9 =	sshrl.u32 s10, $0x3  }
0xd: {  	s26 =	sadd.s32 s7, s23;
	s6 =	sshrl.u32 s6, $0x3;
	s9 =	sadd.s32 s8, s9  }
0xe: {  	s11 =	sadd.s32 s7, s2;
	s10 =	sadd.s32 s7, s3;
	s28 =	sadd.s32 s6, s4  }
0xf: {  	s6 =	smul.u32 $0x5000, s15;
	[dreg:$0x3] =	wrdreg s9;
	s9 =	sshrl.u32 s11, $0x3  }
0x10: {  	s10 =	sshrl.u32 s10, $0x3;
	s11 =	sadd.s32 s7, s24;
	s9 =	sadd.s32 s8, s9  }
0x11: {  	s20 =	sadd.s32 s8, s10;
	s10 =	sshrl.u32 s26, $0x3;
	[dreg:$0x4] =	wrdreg s9  }
0x12: {  	s26 =	smul.u32 $0x1400, s19;
	[dreg:$0x5] =	wrdreg s20;
	s9 =	sshrl.u32 s21, $0x3  }
0x13: {  	s10 =	sadd.s32 s8, s10;
	s20 =	sadd.s32 s7, s25;
	s9 =	sadd.s32 s8, s9  }
0x14: {  	[dreg:$0x7] =	wrdreg s10;
	s7 =	sadd.s32 s7, s26;
	s10 =	smul.u32 $0x5000, s13  }
0x15: {  	s21 =	sshrl.u32 s20, $0x3;
	s13 =	smax.u32 s5, $0x1;
	s20 =	smul.u32 $0x5000, s14  }
0x16: {  	[dreg:$0x6] =	wrdreg s9;
	s9 =	sshrl.u32 s11, $0x3;
	s7 =	sshrl.u32 s7, $0x3  }
0x17: {  	s11 =	rddreg [dreg:$0x1];
	s9 =	sadd.s32 s8, s9;
	s7 =	sadd.s32 s8, s7  }
0x18: {  	s0 =	sadd.s32 s0, s11;
	s2 =	sadd.s32 s2, s11;
	[dreg:$0x8] =	wrdreg s9  }
0x19: {  	s3 =	sadd.s32 s3, s11;
	s9 =	sadd.s32 s8, s21;
	[dreg:$0xa] =	wrdreg s7  }
0x1a: {  	s21 =	sshrl.u32 s10, $0x2;
	s10 =	sshrl.u32 s6, $0x2;
	s8 =	sadd.s32 s22, s11  }
0x1b: {  	s22 =	sadd.s32 $0xC800, s28;
	[dreg:$0x9] =	wrdreg s9;
	s9 =	smul.u32 $0x5000, s12  }
0x1c: {  	s12 =	sadd.s32 $0x16600, s4;
	s4 =	sshrl.u32 s20, $0x2;
	s20 =	smul.u32 $0x5000, s18  }
0x1d: {  	s14 =	sadd.s32 s21, s11;
	s21 =	smul.u32 $0x5000, s19;
	_ =	strace $0x8000004D  }
0x1e: {  	[dreg:$0xb] =	wrdreg s13;
	s13 =	smul.u32 $0x5000, s17;
	s17 =	sadd.s32 s10, s11  }
0x1f: {  	s10 =	sadd.s32 s24, s11;
	s24 =	sshrl.u32 s0, $0x3;
	s0 =	simm.s32 $0xA0  }
0x20: {  	s7 =	sshrl.u32 s9, $0x2;
	s9 =	smul.u32 $0x5000, s16;
	s16 =	sadd.s32 s4, s11  }
0x21: {  	s4 =	sshrl.u32 s20, $0x2;
	s30 =	sshrl.u32 s10, $0x3;
	s15 =	sadd.s32 s7, s11  }
0x22: {  	s6 =	sshrl.u32 s13, $0x2;
	s20 =	sadd.s32 s4, s11;
	s7 =	sshrl.u32 s21, $0x2  }
0x23: {  	s13 =	sadd.s32 s25, s11;
	s25 =	sshrl.u32 s2, $0x3;
	s2 =	simm.s32 $0x2  }
0x24: {  	s4 =	simm.s32 $0x1;
	s5 =	sshrl.u32 s9, $0x2;
	s19 =	sadd.s32 s6, s11  }
0x25: {  	s21 =	sadd.s32 s7, s11;
	s9 =	sadd.s32 s23, s11;
	s6 =	sadd.s32 s26, s11  }
0x26: {  	s23 =	sadd.s32 $0x2A00, s28;
	s26 =	sshrl.u32 s3, $0x3;
	s28 =	sshrl.u32 s8, $0x3  }
0x27: {  	s31 =	sshrl.u32 s13, $0x3;
	s3 =	simm.s32 $0x50;
	s18 =	sadd.s32 s5, s11  }
0x28: {  	v0 =	vimm.f32 $0.0e+00;
	s29 =	sshrl.u32 s9, $0x3;
	s8 =	sshrl.u32 @!p0 s6, $0x3;
	s5 =	simm.s32 $0x0  }
.LBB2_1:
0x29: {  	s7 =	simm.s32 $0x100;
	s6 =	simm.s32 $0x0  }
.LBB2_2:
0x2a: {  	p1 =	sne.s32 s7, $0x4F00;
	[tilespmem:s6+$0xD0] =	vst v0;
	s9 =	smov.u32 s7;
	s7 =	sadd.s32 $0x100, s7  }
.Ltmp0:
0x2b: {  	[tilespmem:s6+$0xC0] =	vst v0;
	(pc) =	sbr.rel @p1 .LBB2_2-.Ltmp0, $3  }
0x2c: {  	[tilespmem:s6+$0xA0] =	vst v0  }
0x2d: {  	[tilespmem:s6+$0xB0] =	vst v0;
	_ =	sdelay $0x1  }
0x2e: {  	s6 =	sshra.s32 s9, $0x2  }
0x2f: {  	[tilespmem:s6+$0xD0] =	vst v0  }
0x30: {  	[tilespmem:s6+$0xC0] =	vst v0  }
0x31: {  	[tilespmem:s6+$0xA0] =	vst v0  }
0x32: {  	[tilespmem:s6+$0xB0] =	vst v0  }
0x33: {  	[spmem:s14] =	stream.linear.scatter [tilespmem:s0], [sflag:$0x2], $0x1400, $0x38;
	[tilespmem:$0xB0E0] =	vst v63  }
0x34: {  	_ =	swait.ge [sflag:s2], $0x1400  }
0x35: {  	[sflag:s2] =	ssyncset.done $0x0  }
0x36: {  	[sflag:s2] =	ssyncadd.s32 $0xFFFFEC00  }
0x37: {  	[spmem:s15] =	stream.linear.scatter [tilespmem:s0], [sflag:$0x2], $0x1400, $0x38;
	[tilespmem:$0xB0E0] =	vst v63  }
0x38: {  	_ =	swait.ge [sflag:s2], $0x1400  }
0x39: {  	[sflag:s2] =	ssyncset.done $0x0  }
0x3a: {  	[sflag:s2] =	ssyncadd.s32 $0xFFFFEC00  }
0x3b: {  	[spmem:s16] =	stream.linear.scatter [tilespmem:s0], [sflag:$0x2], $0x1400, $0x38;
	[tilespmem:$0xB0E0] =	vst v63  }
0x3c: {  	_ =	swait.ge [sflag:s2], $0x1400  }
0x3d: {  	[sflag:s2] =	ssyncset.done $0x0  }
0x3e: {  	[sflag:s2] =	ssyncadd.s32 $0xFFFFEC00  }
0x3f: {  	[spmem:s17] =	stream.linear.scatter [tilespmem:s0], [sflag:$0x2], $0x1400, $0x38;
	[tilespmem:$0xB0E0] =	vst v63  }
0x40: {  	_ =	swait.ge [sflag:s2], $0x1400  }
0x41: {  	[sflag:s2] =	ssyncset.done $0x0  }
0x42: {  	[sflag:s2] =	ssyncadd.s32 $0xFFFFEC00  }
0x43: {  	[spmem:s18] =	stream.linear.scatter [tilespmem:s0], [sflag:$0x2], $0x1400, $0x38;
	[tilespmem:$0xB0E0] =	vst v63  }
0x44: {  	_ =	swait.ge [sflag:s2], $0x1400  }
0x45: {  	[sflag:s2] =	ssyncset.done $0x0  }
0x46: {  	[sflag:s2] =	ssyncadd.s32 $0xFFFFEC00  }
0x47: {  	[spmem:s19] =	stream.linear.scatter [tilespmem:s0], [sflag:$0x2], $0x1400, $0x38;
	[tilespmem:$0xB0E0] =	vst v63  }
0x48: {  	_ =	swait.ge [sflag:s2], $0x1400  }
0x49: {  	[sflag:s2] =	ssyncset.done $0x0  }
0x4a: {  	[sflag:s2] =	ssyncadd.s32 $0xFFFFEC00  }
0x4b: {  	[spmem:s20] =	stream.linear.scatter [tilespmem:s0], [sflag:$0x2], $0x1400, $0x38;
	[tilespmem:$0xB0E0] =	vst v63  }
0x4c: {  	_ =	swait.ge [sflag:s2], $0x1400  }
0x4d: {  	[sflag:s2] =	ssyncset.done $0x0  }
0x4e: {  	s6 =	simm.s32 @!p0 $0xA0;
	[sflag:s2] =	ssyncadd.s32 $0xFFFFEC00  }
0x4f: {  	[spmem:s21] =	stream.linear.scatter @!p0 [tilespmem:s6], [sflag:$0x2], $0x1400, $0x38;
	[tilespmem:$0xB0E0] =	vst v63  }
0x50: {  	s6 =	simm.s32 @!p0 $0x2  }
0x51: {  	_ =	swait.ge @!p0 [sflag:s6], $0x1400  }
0x52: {  	[sflag:s6] =	ssyncset.done @!p0 $0x0  }
0x53: {  	[sflag:s6] =	ssyncadd.s32 @!p0 $0xFFFFEC00  }
0x54: {  	s10 =	sadd.s32 $0x0, s23;
	[bflag:$0x0] =	sbarrier.arrive $0xFFFF  }
0x55: {  	[tilespmem:s1], [sflag:$0x2] =	stream.linear.gather [hbm4b:s10+s1], $0x50, $0x38;
	[tilespmem:$0xB0E0] =	vst v63  }
0x56: {  	_ =	swait.ge [sflag:s2], $0x50  }
0x57: {  	[sflag:s2] =	ssyncset.done $0x0  }
0x58: {  	s13 =	sadd.s32 $0x0, s22;
	[sflag:s2] =	ssyncadd.s32 $0xFFFFFFB0  }
0x59: {  	[tilespmem:s3], [sflag:$0x2] =	stream.linear.gather [hbm4b:s13+s1], $0x50, $0x38;
	[tilespmem:$0xB0E0] =	vst v63  }
0x5a: {  	_ =	swait.ge [sflag:s2], $0x50  }
0x5b: {  	[sflag:s2] =	ssyncset.done $0x0  }
0x5c: {  	[sflag:s2] =	ssyncadd.s32 $0xFFFFFFB0  }
0x5d: {  	[tilespmem:s0], [sflag:$0x1] =	stream.indirect.gather [hbm4b:s12+s3], $0x40, s1, s3, $0xb8;
	[tilespmem:$0xB0E0] =	vst v63  }
0x5e: {  	_ =	swait.ge [sflag:s4], $0x1400  }
0x5f: {  	[sflag:s4] =	ssyncset.done $0x0  }
0x60: {  	[sflag:s4] =	ssyncadd.s32 $0xFFFFEC00  }
0x61: {  	[spmem:s11] =	stream.indirect.scatter.add.f32 [tilespmem:s0], [sflag:$0x2], $0x40, s3, s3, $0xb8;
	[tilespmem:$0xB0E0] =	vst v63  }
0x62: {  	_ =	swait.ge [sflag:s2], $0x1400  }
0x63: {  	s7 =	simm.s32 $0x14;
	s6 =	simm.s32 $0xA;
	[sflag:s2] =	ssyncset.done $0x0  }
.LBB2_4:
0x64: {  	s9 =	sadd.s32 s6, s23  }
0x65: {  	[sflag:s2] =	ssyncadd.s32 $0xFFFFEC00;
	s10 =	smov.u32 s7;
	s13 =	sadd.s32 $0xA, s7  }
0x66: {  	[tilespmem:s1], [sflag:$0x2] =	stream.linear.gather [hbm4b:s9+s1], $0x50, $0x38;
	[tilespmem:$0xB0E0] =	vst v63  }
0x67: {  	p1 =	sne.s32 s7, $0x4D8;
	_ =	swait.ge [sflag:s2], $0x50  }
0x68: {  	[sflag:s2] =	ssyncset.done $0x0  }
0x69: {  	s7 =	sadd.s32 s6, s22;
	s6 =	smov.u32 s10;
	[sflag:s2] =	ssyncadd.s32 $0xFFFFFFB0  }
0x6a: {  	[tilespmem:s3], [sflag:$0x2] =	stream.linear.gather [hbm4b:s7+s1], $0x50, $0x38;
	[tilespmem:$0xB0E0] =	vst v63  }
0x6b: {  	_ =	swait.ge [sflag:s2], $0x50  }
0x6c: {  	[sflag:s2] =	ssyncset.done $0x0  }
0x6d: {  	[sflag:s2] =	ssyncadd.s32 $0xFFFFFFB0  }
0x6e: {  	[tilespmem:s0], [sflag:$0x1] =	stream.indirect.gather [hbm4b:s12+s3], $0x40, s1, s3, $0xb8;
	[tilespmem:$0xB0E0] =	vst v63  }
0x6f: {  	_ =	swait.ge [sflag:s4], $0x1400  }
.Ltmp1:
0x70: {  	[sflag:s4] =	ssyncset.done $0x0;
	(pc) =	sbr.rel @p1 .LBB2_4-.Ltmp1, $4  }
0x71: {  	[sflag:s4] =	ssyncadd.s32 $0xFFFFEC00  }
0x72: {  	[spmem:s11] =	stream.indirect.scatter.add.f32 [tilespmem:s0], [sflag:$0x2], $0x40, s3, s3, $0xb8;
	[tilespmem:$0xB0E0] =	vst v63  }
0x73: {  	_ =	swait.ge [sflag:s2], $0x1400  }
0x74: {  	s7 =	smov.u32 s13;
	[sflag:s2] =	ssyncset.done $0x0  }
0x75: {  	s7 =	sadd.s32 s6, s23;
	[sflag:s2] =	ssyncadd.s32 $0xFFFFEC00  }
0x76: {  	[tilespmem:s1], [sflag:$0x2] =	stream.linear.gather [hbm4b:s7+s1], $0x50, $0x38;
	[tilespmem:$0xB0E0] =	vst v63  }
0x77: {  	_ =	swait.ge [sflag:s2], $0x50  }
0x78: {  	[sflag:s2] =	ssyncset.done $0x0  }
0x79: {  	s7 =	sadd.s32 s6, s22;
	[sflag:s2] =	ssyncadd.s32 $0xFFFFFFB0  }
0x7a: {  	[tilespmem:s3], [sflag:$0x2] =	stream.linear.gather [hbm4b:s7+s1], $0x50, $0x38;
	[tilespmem:$0xB0E0] =	vst v63  }
0x7b: {  	_ =	swait.ge [sflag:s2], $0x50  }
0x7c: {  	[sflag:s2] =	ssyncset.done $0x0  }
0x7d: {  	[sflag:s2] =	ssyncadd.s32 $0xFFFFFFB0  }
0x7e: {  	[tilespmem:s0], [sflag:$0x1] =	stream.indirect.gather [hbm4b:s12+s3], $0x40, s1, s3, $0xb8;
	[tilespmem:$0xB0E0] =	vst v63  }
0x7f: {  	_ =	swait.ge [sflag:s4], $0x1400  }
0x80: {  	[sflag:s4] =	ssyncset.done $0x0  }
0x81: {  	[sflag:s4] =	ssyncadd.s32 $0xFFFFEC00  }
0x82: {  	[spmem:s11] =	stream.indirect.scatter.add.f32 [tilespmem:s0], [sflag:$0x2], $0x40, s3, s3, $0xb8;
	[tilespmem:$0xB0E0] =	vst v63  }
0x83: {  	_ =	swait.ge [sflag:s2], $0x1400  }
0x84: {  	[sflag:s2] =	ssyncset.done $0x0  }
0x85: {  	s9 =	stileid.u32;
	[sflag:s2] =	ssyncadd.s32 $0xFFFFEC00  }
0x86: {  	s6 =	sshll.u32 s9, $0x6;
	[bflag:$0x0] =	sbarrier.arrive $0xFFFF  }
0x87: {  	s6 =	sor.u32 $0x1C02, s6;
	s10 =	rddreg [dreg:$0x3]  }
0x88: {  	[hbm:s10], [sflag:s6] =	dma.local [spmem:s24], $0x280  }
0x89: {  	_ =	swait.ge [sflag:s2], $0x280  }
0x8a: {  	[sflag:s2] =	ssyncset.done $0x0  }
0x8b: {  	s13 =	rddreg [dreg:$0x4];
	[sflag:s2] =	ssyncadd.s32 $0xFFFFFD80  }
0x8c: {  	[hbm:s13], [sflag:s6] =	dma.local [spmem:s25], $0x280  }
0x8d: {  	_ =	swait.ge [sflag:s2], $0x280  }
0x8e: {  	[sflag:s2] =	ssyncset.done $0x0  }
0x8f: {  	s9 =	rddreg [dreg:$0x5];
	[sflag:s2] =	ssyncadd.s32 $0xFFFFFD80  }
0x90: {  	[hbm:s9], [sflag:s6] =	dma.local [spmem:s26], $0x280  }
0x91: {  	_ =	swait.ge [sflag:s2], $0x280  }
0x92: {  	[sflag:s2] =	ssyncset.done $0x0  }
0x93: {  	s10 =	rddreg [dreg:$0x6];
	[sflag:s2] =	ssyncadd.s32 $0xFFFFFD80  }
0x94: {  	[hbm:s10], [sflag:s6] =	dma.local [spmem:s28], $0x280  }
0x95: {  	_ =	swait.ge [sflag:s2], $0x280  }
0x96: {  	[sflag:s2] =	ssyncset.done $0x0  }
0x97: {  	s13 =	rddreg [dreg:$0x7];
	[sflag:s2] =	ssyncadd.s32 $0xFFFFFD80  }
0x98: {  	[hbm:s13], [sflag:s6] =	dma.local [spmem:s29], $0x280  }
0x99: {  	_ =	swait.ge [sflag:s2], $0x280  }
0x9a: {  	[sflag:s2] =	ssyncset.done $0x0  }
0x9b: {  	s9 =	rddreg [dreg:$0x8];
	[sflag:s2] =	ssyncadd.s32 $0xFFFFFD80  }
0x9c: {  	[hbm:s9], [sflag:s6] =	dma.local [spmem:s30], $0x280  }
0x9d: {  	_ =	swait.ge [sflag:s2], $0x280  }
0x9e: {  	[sflag:s2] =	ssyncset.done $0x0  }
0x9f: {  	s10 =	rddreg [dreg:$0x9];
	[sflag:s2] =	ssyncadd.s32 $0xFFFFFD80  }
0xa0: {  	[hbm:s10], [sflag:s6] =	dma.local [spmem:s31], $0x280  }
0xa1: {  	_ =	swait.ge [sflag:s2], $0x280  }
0xa2: {  	[sflag:s2] =	ssyncset.done $0x0  }
0xa3: {  	s7 =	rddreg [dreg:$0xa];
	[sflag:s2] =	ssyncadd.s32 $0xFFFFFD80  }
0xa4: {  	[hbm:s7], [sflag:s6] =	dma.local @!p0 [spmem:s8], $0x280  }
0xa5: {  	s6 =	simm.s32 @!p0 $0x2  }
0xa6: {  	_ =	swait.ge @!p0 [sflag:s6], $0x280  }
0xa7: {  	s5 =	sadd.s32 $0x1, s5;
	s13 =	rddreg [dreg:$0xb]  }
0xa8: {  	p1 =	sne.s32 s5, s13  }
.Ltmp2:
0xa9: {  	_ = 	snop;
	(pc) =	sbr.rel @p1 .LBB2_1-.Ltmp2, $3  }
0xaa: {  	_ =	sdelay $0x1  }
0xab: {  	[sflag:s6] =	ssyncset.done @!p0 $0x0  }
0xac: {  	[sflag:s6] =	ssyncadd.s32 @!p0 $0xFFFFFD80  }
0xad: {  	_ =	sfence.sel $0x180000  }
0xae: {  	[bflag:$0x0] =	sbarrier.arrive $0xFFFF  }
0xaf: {  	_ =	strace $0x9000004D  }
0xb0: {  	s0 =	stileid.u32;
	[bflag:$0x2] =	sbarrier.arrive $0xFFFF  }
0xb1: {  	p0 =	sne.s32 s0, $0x0;
	s0 =	rddreg [dreg:$0x2]  }
0xb2: {  	s0 =	sadd.s32 @!p0 $0x100000, s0  }
0xb3: {  	[sflag:s0] =	ssyncadd.tile.s32 @!p0 $0x1;
	_ =	shalt  }
.Lfunc_end2:
_tile_overlayer_lowered:
.L_overlay_start_2:
0xb4: {  	(tag) =	ssettag $0x2  }
0xb5: {  	s0 =	rddreg [dreg:$0x0];
	s2 =	stileid.u32  }
0xb6: {  	s1 =	rddreg [dreg:$0x1];
	p0 =	sne.s32 s2, $0x0  }
0xb7: {  	s3 =	rddreg [dreg:$0x2];
	[bflag:$0x3] =	sbarrier.arrive $0xFFFF;
	s2 =	simm.s32 @!p0 $0x1C02  }
0xb8: {  	[timem:s3], [sflag:s2] =	dma.local @!p0 [hbm:s0], s1  }
0xb9: {  	s0 =	simm.s32 @!p0 $0x2  }
0xba: {  	_ =	swait.ge @!p0 [sflag:s0], s1  }
0xbb: {  	s1 =	ssub.s32 @!p0 $0x0, s1;
	[sflag:s0] =	ssyncset.done @!p0 $0x0  }
0xbc: {  	[sflag:s0] =	ssyncadd.s32 @!p0 s1  }
0xbd: {  	[bflag:$0x3] =	sbarrier.arrive $0xFFFF  }
0xbe: {  	_ =	shalt  }

// kernel: kernel.19.cloned.1.call-start
scs
__scs_entry_jumppad:
0x0: {  	(pc) =	sbr.rel $0x88, $3  }
0x1: {  	(tag) =	ssettag $0x0;
	lr =	simm.s32 $0x1  }
0x2: {  	[smem:$0x3F8F] =	sst lr;
	_ =	strace $0xD0000000  }
0x3: {  	_ = 	snop  }
0x4: {  	_ = 	snop  }
0x5: {  	_ = 	snop  }
0x6: {  	_ = 	snop  }
0x7: {  	_ = 	snop  }
__scs_overlays_trampoline_lowered:
0x8: {  	[smem:$0x3F9E] =	sst s0  }
0x9: {  	[smem:$0x3F9F] =	sst s1  }
0xa: {  	[smem:$0x3FA0] =	sst s2  }
0xb: {  	[smem:$0x3FA1] =	sst s3  }
0xc: {  	[smem:$0x3FA2] =	sst s4  }
0xd: {  	[smem:$0x3FA3] =	sst s5  }
0xe: {  	[smem:$0x3FA4] =	sst s6  }
0xf: {  	[smem:$0x3FA5] =	sst s7  }
0x10: {  	[smem:$0x3FA6] =	sst s8  }
0x11: {  	[smem:$0x3FA7] =	sst s9;
	s0 =	simm.s32 @!p0 $0x0  }
0x12: {  	s1 =	sld [smem:$0x3F8D];
	s0 =	simm.s32 @p0 $0x1  }
0x13: {  	[smem:$0x3FA8] =	sst s0;
	s0 =	simm.s32 @!p1 $0x0  }
0x14: {  	s2 =	sld [smem:$0x3F8C];
	s0 =	simm.s32 @p1 $0x1  }
0x15: {  	[smem:$0x3FA9] =	sst s0;
	s0 =	simm.s32 @!p2 $0x0  }
0x16: {  	s3 =	sld [smem:$0x3FDB];
	s0 =	simm.s32 @p2 $0x1  }
0x17: {  	s4 =	simm.s32 $0x1BF5;
	[smem:$0x3FAB] =	sst s0  }
0x18: {  	s0 =	sld [smem:$0x3F8E];
	_ =	swait.ge [sflag:s4], $0x0  }
0x19: {  	s7 =	sld [smem:$0x3F8F]  }
0x1a: {  	s8 =	sadd.s32 $0xFFFFE003, lr  }
0x1b: {  	s9 =	sadd.s32 $0xFFFFFEF7, lr;
	s5 =	simm.s32 $0xFFFFFFFF;
	p2 =	slt.u32 s8, $0xFFFFF086  }
0x1c: {  	p1 =	slt.u32 s9, $0xF7A;
	s5 =	simm.s32 @!p2 $0x0  }
0x1d: {  	s5 =	simm.s32 @p1 $0x1;
	p0 =	seq.s32 s7, s2  }
0x1e: {  	s7 =	smul.u32 @!p0 $0xF7A, s2;
	p2 =	seq.s32 @!p0 s5, $0x0  }
0x1f: {  	s9 =	smul.u32 $0xF7A, s1;
	s8 =	simm.s32 @!p0 $0x1BF5;
	p2 =	por !p2, p0  }
0x20: {  	[sflag:s8] =	ssyncset.s32 @!p0 $0xFFFFF086;
	s6 =	sadd.s32 @!p0 s3, s7;
	s7 =	simm.s32 @!p0 $0x108  }
0x21: {  	s3 =	sadd.s32 s3, s9;
	s6 =	sadd.s32 @!p0 $0x88, s6;
	s7 =	simm.s32 @p2 $0x1082  }
0x22: {  	[simem:s7], [sflag:s8] =	dma.local @!p0 [hbm:s6], $0xF7A  }
0x23: {  	s9 =	sor.u32 $0xD0000000, s2;
	s6 =	simm.s32 $0x108;
	_ =	swait.ge @!p0 [sflag:s8], $0x0  }
0x24: {  	s3 =	sadd.s32 $0x88, s3;
	s6 =	simm.s32 @!p1 $0x1082;
	[sflag:s4] =	ssyncset.s32 $0xFFFFF086  }
0x25: {  	[simem:s6], [sflag:s4] =	dma.local [hbm:s3], $0xF7A  }
0x26: {  	[smem:$0x3F8F] =	sst s1;
	(tag) =	ssettag s2;
	_ =	strace s9  }
0x27: {  	s1 =	sld [smem:$0x3F9F]  }
0x28: {  	s2 =	sld [smem:$0x3FA0]  }
0x29: {  	s4 =	sld [smem:$0x3FA2]  }
0x2a: {  	p0 =	seq.s32 s5, $0x0;
	s5 =	sld [smem:$0x3FA3]  }
0x2b: {  	s6 =	sld [smem:$0x3FA4]  }
0x2c: {  	s7 =	sld [smem:$0x3FA5]  }
0x2d: {  	s3 =	simm.s32 $0x108;
	s8 =	sld [smem:$0x3FA6]  }
0x2e: {  	s3 =	simm.s32 @!p0 $0x1082;
	s9 =	sld [smem:$0x3FA7]  }
0x2f: {  	lr =	sadd.s32 s0, s3;
	s0 =	sld [smem:$0x3F9E]  }
0x30: {  	s3 =	sld [smem:$0x3FA1]  }
0x31: {  	[smem:$0x3FAA] =	sst s10  }
0x32: {  	s10 =	sld [smem:$0x3FA8];
	_ =	sdelay $0x3  }
0x33: {  	p0 =	seq.s32 s10, $0x1;
	s10 =	sld [smem:$0x3FAA];
	_ =	sdelay $0x3  }
0x34: {  	[smem:$0x3FAA] =	sst s10  }
0x35: {  	s10 =	sld [smem:$0x3FA9];
	_ =	sdelay $0x3  }
0x36: {  	p1 =	seq.s32 s10, $0x1;
	s10 =	sld [smem:$0x3FAA];
	_ =	sdelay $0x3  }
0x37: {  	[smem:$0x3FAA] =	sst s10  }
0x38: {  	s10 =	sld [smem:$0x3FAB]  }
0x39: {  	_ = 	snop;
	(pc) =	sbr.ind lr, $3  }
0x3a: {  	_ = 	snop  }
0x3b: {  	_ = 	snop  }
0x3c: {  	p2 =	seq.s32 s10, $0x1;
	s10 =	sld [smem:$0x3FAA]  }
0x3d: {  	_ =	shalt  }
0x3e: {  	_ =	shalt  }
0x3f: {  	_ =	shalt  }
0x40: {  	_ =	shalt  }
0x41: {  	_ =	shalt  }
0x42: {  	_ =	shalt  }
0x43: {  	_ =	shalt  }
0x44: {  	_ =	shalt  }
0x45: {  	_ =	shalt  }
0x46: {  	_ =	shalt  }
0x47: {  	_ =	shalt  }
0x48: {  	_ =	shalt  }
0x49: {  	_ =	shalt  }
0x4a: {  	_ =	shalt  }
0x4b: {  	_ =	shalt  }
0x4c: {  	_ =	shalt  }
0x4d: {  	_ =	shalt  }
0x4e: {  	_ =	shalt  }
0x4f: {  	_ =	shalt  }
0x50: {  	_ =	shalt  }
0x51: {  	_ =	shalt  }
0x52: {  	_ =	shalt  }
0x53: {  	_ =	shalt  }
0x54: {  	_ =	shalt  }
0x55: {  	_ =	shalt  }
0x56: {  	_ =	shalt  }
0x57: {  	_ =	shalt  }
0x58: {  	_ =	shalt  }
0x59: {  	_ =	shalt  }
0x5a: {  	_ =	shalt  }
0x5b: {  	_ =	shalt  }
0x5c: {  	_ =	shalt  }
0x5d: {  	_ =	shalt  }
0x5e: {  	_ =	shalt  }
0x5f: {  	_ =	shalt  }
0x60: {  	_ =	shalt  }
0x61: {  	_ =	shalt  }
0x62: {  	_ =	shalt  }
0x63: {  	_ =	shalt  }
0x64: {  	_ =	shalt  }
0x65: {  	_ =	shalt  }
0x66: {  	_ =	shalt  }
0x67: {  	_ =	shalt  }
0x68: {  	_ =	shalt  }
0x69: {  	_ =	shalt  }
0x6a: {  	_ =	shalt  }
0x6b: {  	_ =	shalt  }
0x6c: {  	_ =	shalt  }
0x6d: {  	_ =	shalt  }
0x6e: {  	_ =	shalt  }
0x6f: {  	_ =	shalt  }
0x70: {  	_ =	shalt  }
0x71: {  	_ =	shalt  }
0x72: {  	_ =	shalt  }
0x73: {  	_ =	shalt  }
0x74: {  	_ =	shalt  }
0x75: {  	_ =	shalt  }
0x76: {  	_ =	shalt  }
0x77: {  	_ =	shalt  }
0x78: {  	_ =	shalt  }
0x79: {  	_ =	shalt  }
0x7a: {  	_ =	shalt  }
0x7b: {  	_ =	shalt  }
0x7c: {  	_ =	shalt  }
0x7d: {  	_ =	shalt  }
0x7e: {  	_ =	shalt  }
0x7f: {  	_ =	shalt  }
0x80: {  	_ =	shalt  }
0x81: {  	_ =	shalt  }
0x82: {  	_ =	shalt  }
0x83: {  	_ =	shalt  }
0x84: {  	_ =	shalt  }
0x85: {  	_ =	shalt  }
0x86: {  	_ =	shalt  }
0x87: {  	_ =	shalt  }
.Lfunc_end0:
.L_simem_size_0:
called_computation.3_lowered:
.L_overlay_start_0:
0x88: {  	s2 =	sld [smem:$0x3FD9]  }
0x89: {  	s3 =	sld [smem:$0x3FFE];
	_ =	sdelay $0x1  }
0x8a: {  	s1 =	srdreg.scid  }
0x8b: {  	s0 =	sand.u32 $0x1, s1  }
0x8c: {  	s16 =	sshll.u32 s0, $0xA;
	s2 =	sadd.s32 s3, s2  }
0x8d: {  	s2 =	sadd.s32 s2, s16  }
0x8e: {  	[smem:$0x3FB6] =	sst s2  }
0x8f: {  	_ = 	snop  }
0x90: {  	(tm) =	ssettm $0x1  }
0x91: {  	s17 =	sld [smem:$0x3FFB];
	_ =	sdelay $0x3  }
0x92: {  	_ =	strace s17  }
0x93: {  	s2 =	sld [smem:$0x3FFC];
	_ =	sdelay $0x3  }
0x94: {  	_ =	strace s2  }
0x95: {  	s2 =	sld [smem:$0x3FFD];
	_ =	sdelay $0x3  }
0x96: {  	_ =	strace s2  }
0x97: {  	_ =	strace $0x8FFFFFFF  }
0x98: {  	s18 =	sld [smem:$0x3FDB];
	_ =	sdelay $0x1  }
0x99: {  	s19 =	simm.s32 $_scs_section_size  }
0x9a: {  	s4 =	simm.s32 $_size__tile_overlayer_lowered;
	s5 =	simm.s32 $_tile_overlayer_lowered  }
0x9b: {  	s22 =	simm.s32 $0x1BFF;
	s21 =	sshll.u32 s5, $0x1;
	s2 =	sadd.s32 s19, s18  }
0x9c: {  	s6 =	simm.s32 $0x0;
	s20 =	sshll.u32 s4, $0x1;
	s4 =	sadd.s32 s21, s2  }
0x9d: {  	[timem:s6], [sflag:s22] =	dma.local [hbm:s4], s20  }
0x9e: {  	_ =	swait.ge [sflag:s22], s20  }
0x9f: {  	s3 =	ssub.s32 $0x0, s20;
	[sflag:s22] =	ssyncset.done $0x0  }
0xa0: {  	[sflag:s22] =	ssyncadd.s32 s3;
	_ =	sdelay $0x1  }
0xa1: {  	s23 =	simm.s32 $0x1B8B  }
0xa2: {  	_ =	swait.ge [sflag:s23], $0x1  }
0xa3: {  	[sflag:s23] =	ssyncset.done $0x0  }
0xa4: {  	s25 =	simm.s32 $0x1B8E;
	s24 =	sld [smem:$0x3FFE];
	[sflag:s23] =	ssyncadd.s32 $0xFFFFFFFF  }
0xa5: {  	s26 =	simm.s32 $execute0_lowered;
	[smem:$0x3FD2] =	sst s25  }
0xa6: {  	s4 =	sshll.u32 s26, $0x1;
	_ =	strace $0x8000004F;
	[dreg:$0x1] =	wrdreg $0xFFFFFFFF  }
0xa7: {  	s28 =	simm.s32 $_size_execute0_lowered;
	s2 =	sadd.s32 s2, s4;
	[dreg:$0x0] =	wrdreg $0x0  }
0xa8: {  	s4 =	sshll.u32 s28, $0x1;
	[dreg:$0x2] =	wrdreg s2  }
0xa9: {  	[dreg:$0x3] =	wrdreg s4  }
0xaa: {  	[dreg:$0x4] =	wrdreg $0xC0  }
0xab: {  	_ =	task [dreg:s6], $0x5FFFF  }
0xac: {  	[dreg:$0x1] =	wrdreg $0xFFFFFFFF  }
0xad: {  	[dreg:$0x0] =	wrdreg $0x60  }
0xae: {  	[dreg:$0x2] =	wrdreg s24  }
0xaf: {  	[dreg:$0x3] =	wrdreg $0x14A00  }
0xb0: {  	[dreg:$0x4] =	wrdreg $0x9  }
0xb1: {  	_ =	task.clear_ibuf [dreg:s6], $0x5FFFF;
	_ =	strace $0x9000004F  }
0xb2: {  	s29 =	simm.s32 $0x9;
	_ =	strace $0x80000051  }
0xb3: {  	_ =	swait.ge [sflag:s29], $0x1  }
0xb4: {  	[sflag:s29] =	ssyncadd.s32 $0xFFFFFFFF  }
0xb5: {  	_ =	strace $0x90000051  }
0xb6: {  	_ =	sfence  }
0xb7: {  	s30 =	sld [smem:$0x0];
	_ =	sdelay $0x2  }
0xb8: {  	s31 =	sshll.u32 s1, $0xD;
	s1 =	sshrl.u32 s1, $0x2  }
0xb9: {  	s3 =	sand.u32 $0x4000, s31;
	s1 =	sadd.s32 s1, s30  }
0xba: {  	s0 =	sor.u32 s3, s0;
	s1 =	sshll.u32 s1, $0x11  }
0xbb: {  	s0 =	sor.u32 s1, s0  }
0xbc: {  	s0 =	sadd.s32 $0x8F2B, s0  }
0xbd: {  	[sflag:s0] =	ssyncadd.remote.s32 $0x1  }
0xbe: {  	_ =	sfence.sel $0xFFFF  }
0xbf: {  	[dreg:$0x0] =	wrdreg $0xFFFFFFFF;
	(pc) =	sbr.abs _section_cstart, $3  }
0xc0: {  	[dreg:$0x1] =	wrdreg $0xFFFFFFFF  }
0xc1: {  	_ =	task.clear_ibuf [dreg:s6], $0x2FFFF;
	_ =	strace $0x9FFFFFFF  }
0xc2: {  	(tm) =	ssettm $0x7FFFFFFF  }
0xc3: {  	_ =	shalt  }
tec
execute0_lowered:
.L_overlay_start_1:
0x0: {  	(tag) =	ssettag $0x1  }
0x1: {  	s0 =	srdreg.scid;
	s13 =	stileid.u32  }
0x2: {  	s0 =	sand.u32 $0x1, s0;
	s3 =	smul.u32 $0x2710, s13  }
0x3: {  	s2 =	smul.u32 $0x27100, s0  }
0x4: {  	s4 =	rddreg [dreg:$0x0];
	s1 =	simm.s32 $0x0;
	s7 =	smul.u32 $0x9C400, s0  }
0x5: {  	s15 =	sor.u32 $0x30, s13;
	s5 =	ssub.s32 $0x2, s0;
	s0 =	smul.u32 $0x1400, s13  }
0x6: {  	[smem:$0x7FF] =	sst s1;
	s16 =	sor.u32 $0x40, s13;
	s22 =	smul.u32 $0x1400, s15  }
0x7: {  	s8 =	sadd.s32 $0x2A000, s4;
	s17 =	sor.u32 $0x50, s13;
	s23 =	smul.u32 $0x1400, s16  }
0x8: {  	s12 =	sor.u32 $0x10, s13;
	s18 =	sor.u32 $0x60, s13;
	s24 =	smul.u32 $0x1400, s17  }
0x9: {  	s14 =	sor.u32 $0x20, s13;
	s19 =	sor.u32 $0x70, s13;
	s25 =	smul.u32 $0x1400, s18  }
0xa: {  	p0 =	sgt.u32 s19, $0x7C;
	s9 =	sshrl.u32 s5, $0x1;
	s6 =	sadd.s32 s3, s2  }
0xb: {  	s5 =	ssub.s32 s5, s9;
	s10 =	sadd.s32 s7, s0;
	s2 =	smul.u32 $0x1400, s12  }
0xc: {  	s3 =	smul.u32 $0x1400, s14;
	s21 =	sadd.s32 s7, s22;
	s9 =	sshrl.u32 s10, $0x3  }
0xd: {  	s26 =	sadd.s32 s7, s23;
	s6 =	sshrl.u32 s6, $0x3;
	s9 =	sadd.s32 s8, s9  }
0xe: {  	s11 =	sadd.s32 s7, s2;
	s10 =	sadd.s32 s7, s3;
	s28 =	sadd.s32 s6, s4  }
0xf: {  	s6 =	smul.u32 $0x5000, s15;
	[dreg:$0x3] =	wrdreg s9;
	s9 =	sshrl.u32 s11, $0x3  }
0x10: {  	s10 =	sshrl.u32 s10, $0x3;
	s11 =	sadd.s32 s7, s24;
	s9 =	sadd.s32 s8, s9  }
0x11: {  	s20 =	sadd.s32 s8, s10;
	s10 =	sshrl.u32 s26, $0x3;
	[dreg:$0x4] =	wrdreg s9  }
0x12: {  	s26 =	smul.u32 $0x1400, s19;
	[dreg:$0x5] =	wrdreg s20;
	s9 =	sshrl.u32 s21, $0x3  }
0x13: {  	s10 =	sadd.s32 s8, s10;
	s20 =	sadd.s32 s7, s25;
	s9 =	sadd.s32 s8, s9  }
0x14: {  	[dreg:$0x7] =	wrdreg s10;
	s7 =	sadd.s32 s7, s26;
	s10 =	smul.u32 $0x5000, s13  }
0x15: {  	s21 =	sshrl.u32 s20, $0x3;
	s13 =	smax.u32 s5, $0x1;
	s20 =	smul.u32 $0x5000, s14  }
0x16: {  	[dreg:$0x6] =	wrdreg s9;
	s9 =	sshrl.u32 s11, $0x3;
	s7 =	sshrl.u32 s7, $0x3  }
0x17: {  	s11 =	rddreg [dreg:$0x1];
	s9 =	sadd.s32 s8, s9;
	s7 =	sadd.s32 s8, s7  }
0x18: {  	s0 =	sadd.s32 s0, s11;
	s2 =	sadd.s32 s2, s11;
	[dreg:$0x8] =	wrdreg s9  }
0x19: {  	s3 =	sadd.s32 s3, s11;
	s9 =	sadd.s32 s8, s21;
	[dreg:$0xa] =	wrdreg s7  }
0x1a: {  	s21 =	sshrl.u32 s10, $0x2;
	s10 =	sshrl.u32 s6, $0x2;
	s8 =	sadd.s32 s22, s11  }
0x1b: {  	s22 =	sadd.s32 $0xC800, s28;
	[dreg:$0x9] =	wrdreg s9;
	s9 =	smul.u32 $0x5000, s12  }
0x1c: {  	s12 =	sadd.s32 $0x16600, s4;
	s4 =	sshrl.u32 s20, $0x2;
	s20 =	smul.u32 $0x5000, s18  }
0x1d: {  	s14 =	sadd.s32 s21, s11;
	s21 =	smul.u32 $0x5000, s19;
	_ =	strace $0x80000050  }
0x1e: {  	[dreg:$0xb] =	wrdreg s13;
	s13 =	smul.u32 $0x5000, s17;
	s17 =	sadd.s32 s10, s11  }
0x1f: {  	s10 =	sadd.s32 s24, s11;
	s24 =	sshrl.u32 s0, $0x3;
	s0 =	simm.s32 $0xA0  }
0x20: {  	s7 =	sshrl.u32 s9, $0x2;
	s9 =	smul.u32 $0x5000, s16;
	s16 =	sadd.s32 s4, s11  }
0x21: {  	s4 =	sshrl.u32 s20, $0x2;
	s30 =	sshrl.u32 s10, $0x3;
	s15 =	sadd.s32 s7, s11  }
0x22: {  	s6 =	sshrl.u32 s13, $0x2;
	s20 =	sadd.s32 s4, s11;
	s7 =	sshrl.u32 s21, $0x2  }
0x23: {  	s13 =	sadd.s32 s25, s11;
	s25 =	sshrl.u32 s2, $0x3;
	s2 =	simm.s32 $0x2  }
0x24: {  	s4 =	simm.s32 $0x1;
	s5 =	sshrl.u32 s9, $0x2;
	s19 =	sadd.s32 s6, s11  }
0x25: {  	s21 =	sadd.s32 s7, s11;
	s9 =	sadd.s32 s23, s11;
	s6 =	sadd.s32 s26, s11  }
0x26: {  	s23 =	sadd.s32 $0x2A00, s28;
	s26 =	sshrl.u32 s3, $0x3;
	s28 =	sshrl.u32 s8, $0x3  }
0x27: {  	s31 =	sshrl.u32 s13, $0x3;
	s3 =	simm.s32 $0x50;
	s18 =	sadd.s32 s5, s11  }
0x28: {  	v0 =	vimm.f32 $0.0e+00;
	s29 =	sshrl.u32 s9, $0x3;
	s8 =	sshrl.u32 @!p0 s6, $0x3;
	s5 =	simm.s32 $0x0  }
.LBB2_1:
0x29: {  	s7 =	simm.s32 $0x100;
	s6 =	simm.s32 $0x0  }
.LBB2_2:
0x2a: {  	p1 =	sne.s32 s7, $0x4F00;
	[tilespmem:s6+$0xD0] =	vst v0;
	s9 =	smov.u32 s7;
	s7 =	sadd.s32 $0x100, s7  }
.Ltmp0:
0x2b: {  	[tilespmem:s6+$0xC0] =	vst v0;
	(pc) =	sbr.rel @p1 .LBB2_2-.Ltmp0, $3  }
0x2c: {  	[tilespmem:s6+$0xA0] =	vst v0  }
0x2d: {  	[tilespmem:s6+$0xB0] =	vst v0;
	_ =	sdelay $0x1  }
0x2e: {  	s6 =	sshra.s32 s9, $0x2  }
0x2f: {  	[tilespmem:s6+$0xD0] =	vst v0  }
0x30: {  	[tilespmem:s6+$0xC0] =	vst v0  }
0x31: {  	[tilespmem:s6+$0xA0] =	vst v0  }
0x32: {  	[tilespmem:s6+$0xB0] =	vst v0  }
0x33: {  	[spmem:s14] =	stream.linear.scatter [tilespmem:s0], [sflag:$0x2], $0x1400, $0x38;
	[tilespmem:$0xB0E0] =	vst v63  }
0x34: {  	_ =	swait.ge [sflag:s2], $0x1400  }
0x35: {  	[sflag:s2] =	ssyncset.done $0x0  }
0x36: {  	[sflag:s2] =	ssyncadd.s32 $0xFFFFEC00  }
0x37: {  	[spmem:s15] =	stream.linear.scatter [tilespmem:s0], [sflag:$0x2], $0x1400, $0x38;
	[tilespmem:$0xB0E0] =	vst v63  }
0x38: {  	_ =	swait.ge [sflag:s2], $0x1400  }
0x39: {  	[sflag:s2] =	ssyncset.done $0x0  }
0x3a: {  	[sflag:s2] =	ssyncadd.s32 $0xFFFFEC00  }
0x3b: {  	[spmem:s16] =	stream.linear.scatter [tilespmem:s0], [sflag:$0x2], $0x1400, $0x38;
	[tilespmem:$0xB0E0] =	vst v63  }
0x3c: {  	_ =	swait.ge [sflag:s2], $0x1400  }
0x3d: {  	[sflag:s2] =	ssyncset.done $0x0  }
0x3e: {  	[sflag:s2] =	ssyncadd.s32 $0xFFFFEC00  }
0x3f: {  	[spmem:s17] =	stream.linear.scatter [tilespmem:s0], [sflag:$0x2], $0x1400, $0x38;
	[tilespmem:$0xB0E0] =	vst v63  }
0x40: {  	_ =	swait.ge [sflag:s2], $0x1400  }
0x41: {  	[sflag:s2] =	ssyncset.done $0x0  }
0x42: {  	[sflag:s2] =	ssyncadd.s32 $0xFFFFEC00  }
0x43: {  	[spmem:s18] =	stream.linear.scatter [tilespmem:s0], [sflag:$0x2], $0x1400, $0x38;
	[tilespmem:$0xB0E0] =	vst v63  }
0x44: {  	_ =	swait.ge [sflag:s2], $0x1400  }
0x45: {  	[sflag:s2] =	ssyncset.done $0x0  }
0x46: {  	[sflag:s2] =	ssyncadd.s32 $0xFFFFEC00  }
0x47: {  	[spmem:s19] =	stream.linear.scatter [tilespmem:s0], [sflag:$0x2], $0x1400, $0x38;
	[tilespmem:$0xB0E0] =	vst v63  }
0x48: {  	_ =	swait.ge [sflag:s2], $0x1400  }
0x49: {  	[sflag:s2] =	ssyncset.done $0x0  }
0x4a: {  	[sflag:s2] =	ssyncadd.s32 $0xFFFFEC00  }
0x4b: {  	[spmem:s20] =	stream.linear.scatter [tilespmem:s0], [sflag:$0x2], $0x1400, $0x38;
	[tilespmem:$0xB0E0] =	vst v63  }
0x4c: {  	_ =	swait.ge [sflag:s2], $0x1400  }
0x4d: {  	[sflag:s2] =	ssyncset.done $0x0  }
0x4e: {  	s6 =	simm.s32 @!p0 $0xA0;
	[sflag:s2] =	ssyncadd.s32 $0xFFFFEC00  }
0x4f: {  	[spmem:s21] =	stream.linear.scatter @!p0 [tilespmem:s6], [sflag:$0x2], $0x1400, $0x38;
	[tilespmem:$0xB0E0] =	vst v63  }
0x50: {  	s6 =	simm.s32 @!p0 $0x2  }
0x51: {  	_ =	swait.ge @!p0 [sflag:s6], $0x1400  }
0x52: {  	[sflag:s6] =	ssyncset.done @!p0 $0x0  }
0x53: {  	[sflag:s6] =	ssyncadd.s32 @!p0 $0xFFFFEC00  }
0x54: {  	s10 =	sadd.s32 $0x0, s23;
	[bflag:$0x0] =	sbarrier.arrive $0xFFFF  }
0x55: {  	[tilespmem:s1], [sflag:$0x2] =	stream.linear.gather [hbm4b:s10+s1], $0x50, $0x38;
	[tilespmem:$0xB0E0] =	vst v63  }
0x56: {  	_ =	swait.ge [sflag:s2], $0x50  }
0x57: {  	[sflag:s2] =	ssyncset.done $0x0  }
0x58: {  	s13 =	sadd.s32 $0x0, s22;
	[sflag:s2] =	ssyncadd.s32 $0xFFFFFFB0  }
0x59: {  	[tilespmem:s3], [sflag:$0x2] =	stream.linear.gather [hbm4b:s13+s1], $0x50, $0x38;
	[tilespmem:$0xB0E0] =	vst v63  }
0x5a: {  	_ =	swait.ge [sflag:s2], $0x50  }
0x5b: {  	[sflag:s2] =	ssyncset.done $0x0  }
0x5c: {  	[sflag:s2] =	ssyncadd.s32 $0xFFFFFFB0  }
0x5d: {  	[tilespmem:s0], [sflag:$0x1] =	stream.indirect.gather [hbm4b:s12+s3], $0x40, s1, s3, $0xb8;
	[tilespmem:$0xB0E0] =	vst v63  }
0x5e: {  	_ =	swait.ge [sflag:s4], $0x1400  }
0x5f: {  	[sflag:s4] =	ssyncset.done $0x0  }
0x60: {  	[sflag:s4] =	ssyncadd.s32 $0xFFFFEC00  }
0x61: {  	[spmem:s11] =	stream.indirect.scatter.add.f32 [tilespmem:s0], [sflag:$0x2], $0x40, s3, s3, $0xb8;
	[tilespmem:$0xB0E0] =	vst v63  }
0x62: {  	_ =	swait.ge [sflag:s2], $0x1400  }
0x63: {  	s7 =	simm.s32 $0x14;
	s6 =	simm.s32 $0xA;
	[sflag:s2] =	ssyncset.done $0x0  }
.LBB2_4:
0x64: {  	s9 =	sadd.s32 s6, s23  }
0x65: {  	[sflag:s2] =	ssyncadd.s32 $0xFFFFEC00;
	s10 =	smov.u32 s7;
	s13 =	sadd.s32 $0xA, s7  }
0x66: {  	[tilespmem:s1], [sflag:$0x2] =	stream.linear.gather [hbm4b:s9+s1], $0x50, $0x38;
	[tilespmem:$0xB0E0] =	vst v63  }
0x67: {  	p1 =	sne.s32 s7, $0x4D8;
	_ =	swait.ge [sflag:s2], $0x50  }
0x68: {  	[sflag:s2] =	ssyncset.done $0x0  }
0x69: {  	s7 =	sadd.s32 s6, s22;
	s6 =	smov.u32 s10;
	[sflag:s2] =	ssyncadd.s32 $0xFFFFFFB0  }
0x6a: {  	[tilespmem:s3], [sflag:$0x2] =	stream.linear.gather [hbm4b:s7+s1], $0x50, $0x38;
	[tilespmem:$0xB0E0] =	vst v63  }
0x6b: {  	_ =	swait.ge [sflag:s2], $0x50  }
0x6c: {  	[sflag:s2] =	ssyncset.done $0x0  }
0x6d: {  	[sflag:s2] =	ssyncadd.s32 $0xFFFFFFB0  }
0x6e: {  	[tilespmem:s0], [sflag:$0x1] =	stream.indirect.gather [hbm4b:s12+s3], $0x40, s1, s3, $0xb8;
	[tilespmem:$0xB0E0] =	vst v63  }
0x6f: {  	_ =	swait.ge [sflag:s4], $0x1400  }
.Ltmp1:
0x70: {  	[sflag:s4] =	ssyncset.done $0x0;
	(pc) =	sbr.rel @p1 .LBB2_4-.Ltmp1, $4  }
0x71: {  	[sflag:s4] =	ssyncadd.s32 $0xFFFFEC00  }
0x72: {  	[spmem:s11] =	stream.indirect.scatter.add.f32 [tilespmem:s0], [sflag:$0x2], $0x40, s3, s3, $0xb8;
	[tilespmem:$0xB0E0] =	vst v63  }
0x73: {  	_ =	swait.ge [sflag:s2], $0x1400  }
0x74: {  	s7 =	smov.u32 s13;
	[sflag:s2] =	ssyncset.done $0x0  }
0x75: {  	s7 =	sadd.s32 s6, s23;
	[sflag:s2] =	ssyncadd.s32 $0xFFFFEC00  }
0x76: {  	[tilespmem:s1], [sflag:$0x2] =	stream.linear.gather [hbm4b:s7+s1], $0x50, $0x38;
	[tilespmem:$0xB0E0] =	vst v63  }
0x77: {  	_ =	swait.ge [sflag:s2], $0x50  }
0x78: {  	[sflag:s2] =	ssyncset.done $0x0  }
0x79: {  	s7 =	sadd.s32 s6, s22;
	[sflag:s2] =	ssyncadd.s32 $0xFFFFFFB0  }
0x7a: {  	[tilespmem:s3], [sflag:$0x2] =	stream.linear.gather [hbm4b:s7+s1], $0x50, $0x38;
	[tilespmem:$0xB0E0] =	vst v63  }
0x7b: {  	_ =	swait.ge [sflag:s2], $0x50  }
0x7c: {  	[sflag:s2] =	ssyncset.done $0x0  }
0x7d: {  	[sflag:s2] =	ssyncadd.s32 $0xFFFFFFB0  }
0x7e: {  	[tilespmem:s0], [sflag:$0x1] =	stream.indirect.gather [hbm4b:s12+s3], $0x40, s1, s3, $0xb8;
	[tilespmem:$0xB0E0] =	vst v63  }
0x7f: {  	_ =	swait.ge [sflag:s4], $0x1400  }
0x80: {  	[sflag:s4] =	ssyncset.done $0x0  }
0x81: {  	[sflag:s4] =	ssyncadd.s32 $0xFFFFEC00  }
0x82: {  	[spmem:s11] =	stream.indirect.scatter.add.f32 [tilespmem:s0], [sflag:$0x2], $0x40, s3, s3, $0xb8;
	[tilespmem:$0xB0E0] =	vst v63  }
0x83: {  	_ =	swait.ge [sflag:s2], $0x1400  }
0x84: {  	[sflag:s2] =	ssyncset.done $0x0  }
0x85: {  	s9 =	stileid.u32;
	[sflag:s2] =	ssyncadd.s32 $0xFFFFEC00  }
0x86: {  	s6 =	sshll.u32 s9, $0x6;
	[bflag:$0x0] =	sbarrier.arrive $0xFFFF  }
0x87: {  	s6 =	sor.u32 $0x1C02, s6;
	s10 =	rddreg [dreg:$0x3]  }
0x88: {  	[hbm:s10], [sflag:s6] =	dma.local [spmem:s24], $0x280  }
0x89: {  	_ =	swait.ge [sflag:s2], $0x280  }
0x8a: {  	[sflag:s2] =	ssyncset.done $0x0  }
0x8b: {  	s13 =	rddreg [dreg:$0x4];
	[sflag:s2] =	ssyncadd.s32 $0xFFFFFD80  }
0x8c: {  	[hbm:s13], [sflag:s6] =	dma.local [spmem:s25], $0x280  }
0x8d: {  	_ =	swait.ge [sflag:s2], $0x280  }
0x8e: {  	[sflag:s2] =	ssyncset.done $0x0  }
0x8f: {  	s9 =	rddreg [dreg:$0x5];
	[sflag:s2] =	ssyncadd.s32 $0xFFFFFD80  }
0x90: {  	[hbm:s9], [sflag:s6] =	dma.local [spmem:s26], $0x280  }
0x91: {  	_ =	swait.ge [sflag:s2], $0x280  }
0x92: {  	[sflag:s2] =	ssyncset.done $0x0  }
0x93: {  	s10 =	rddreg [dreg:$0x6];
	[sflag:s2] =	ssyncadd.s32 $0xFFFFFD80  }
0x94: {  	[hbm:s10], [sflag:s6] =	dma.local [spmem:s28], $0x280  }
0x95: {  	_ =	swait.ge [sflag:s2], $0x280  }
0x96: {  	[sflag:s2] =	ssyncset.done $0x0  }
0x97: {  	s13 =	rddreg [dreg:$0x7];
	[sflag:s2] =	ssyncadd.s32 $0xFFFFFD80  }
0x98: {  	[hbm:s13], [sflag:s6] =	dma.local [spmem:s29], $0x280  }
0x99: {  	_ =	swait.ge [sflag:s2], $0x280  }
0x9a: {  	[sflag:s2] =	ssyncset.done $0x0  }
0x9b: {  	s9 =	rddreg [dreg:$0x8];
	[sflag:s2] =	ssyncadd.s32 $0xFFFFFD80  }
0x9c: {  	[hbm:s9], [sflag:s6] =	dma.local [spmem:s30], $0x280  }
0x9d: {  	_ =	swait.ge [sflag:s2], $0x280  }
0x9e: {  	[sflag:s2] =	ssyncset.done $0x0  }
0x9f: {  	s10 =	rddreg [dreg:$0x9];
	[sflag:s2] =	ssyncadd.s32 $0xFFFFFD80  }
0xa0: {  	[hbm:s10], [sflag:s6] =	dma.local [spmem:s31], $0x280  }
0xa1: {  	_ =	swait.ge [sflag:s2], $0x280  }
0xa2: {  	[sflag:s2] =	ssyncset.done $0x0  }
0xa3: {  	s7 =	rddreg [dreg:$0xa];
	[sflag:s2] =	ssyncadd.s32 $0xFFFFFD80  }
0xa4: {  	[hbm:s7], [sflag:s6] =	dma.local @!p0 [spmem:s8], $0x280  }
0xa5: {  	s6 =	simm.s32 @!p0 $0x2  }
0xa6: {  	_ =	swait.ge @!p0 [sflag:s6], $0x280  }
0xa7: {  	s5 =	sadd.s32 $0x1, s5;
	s13 =	rddreg [dreg:$0xb]  }
0xa8: {  	p1 =	sne.s32 s5, s13  }
.Ltmp2:
0xa9: {  	_ = 	snop;
	(pc) =	sbr.rel @p1 .LBB2_1-.Ltmp2, $3  }
0xaa: {  	_ =	sdelay $0x1  }
0xab: {  	[sflag:s6] =	ssyncset.done @!p0 $0x0  }
0xac: {  	[sflag:s6] =	ssyncadd.s32 @!p0 $0xFFFFFD80  }
0xad: {  	_ =	sfence.sel $0x180000  }
0xae: {  	[bflag:$0x0] =	sbarrier.arrive $0xFFFF  }
0xaf: {  	_ =	strace $0x90000050  }
0xb0: {  	s0 =	stileid.u32;
	[bflag:$0x2] =	sbarrier.arrive $0xFFFF  }
0xb1: {  	p0 =	sne.s32 s0, $0x0;
	s0 =	rddreg [dreg:$0x2]  }
0xb2: {  	s0 =	sadd.s32 @!p0 $0x100000, s0  }
0xb3: {  	[sflag:s0] =	ssyncadd.tile.s32 @!p0 $0x1;
	_ =	shalt  }
.Lfunc_end2:
_tile_overlayer_lowered:
.L_overlay_start_2:
0xb4: {  	(tag) =	ssettag $0x2  }
0xb5: {  	s0 =	rddreg [dreg:$0x0];
	s2 =	stileid.u32  }
0xb6: {  	s1 =	rddreg [dreg:$0x1];
	p0 =	sne.s32 s2, $0x0  }
0xb7: {  	s3 =	rddreg [dreg:$0x2];
	[bflag:$0x3] =	sbarrier.arrive $0xFFFF;
	s2 =	simm.s32 @!p0 $0x1C02  }
0xb8: {  	[timem:s3], [sflag:s2] =	dma.local @!p0 [hbm:s0], s1  }
0xb9: {  	s0 =	simm.s32 @!p0 $0x2  }
0xba: {  	_ =	swait.ge @!p0 [sflag:s0], s1  }
0xbb: {  	s1 =	ssub.s32 @!p0 $0x0, s1;
	[sflag:s0] =	ssyncset.done @!p0 $0x0  }
0xbc: {  	[sflag:s0] =	ssyncadd.s32 @!p0 s1  }
0xbd: {  	[bflag:$0x3] =	sbarrier.arrive $0xFFFF  }
0xbe: {  	_ =	shalt  }

</sc_bundles>
